<compile_context>
chip_gen: v7x
topology: tpu7x:2x2x1
jax: 0.10.2.dev20260603
libtpu: 0.0.44.dev20260713+nightly
codegen_flags: <defaults>
</compile_context>

<pallas_src>
import functools

import jax
import jax.numpy as jnp
from jax import lax
from jax.experimental import pallas as pl
from jax.experimental.pallas import tpu as pltpu
from jax.experimental.pallas import tpu_sc as plsc

_ROW_BLK = 4096
_N_STREAMS = 4


def _fold_one(tbl, w_ref):
    blk, d = tbl.shape
    w_rep = jnp.broadcast_to(w_ref[...], (d, 128))
    yw = jnp.dot(tbl, w_rep, preferred_element_type=jnp.float32)
    yw3 = yw.reshape(blk // 128, 128, 128)
    eye = (
        lax.broadcasted_iota(jnp.int32, (128, 128), 0)
        == lax.broadcasted_iota(jnp.int32, (128, 128), 1)
    )
    sel = jnp.where(eye[None], yw3, 0.0)
    return jnp.sum(sel, axis=1)


def _project_body(*refs):
    t_refs = refs[:_N_STREAMS]
    w_ref, b_ref, out_ref = refs[_N_STREAMS:]
    for q, tq in enumerate(t_refs):
        out_ref[q] = _fold_one(tq[...], w_ref) + b_ref[0, 0]


def _project(table, W, b):
    n, d = table.shape
    stride_blk, grid = _quarter_geometry(n)
    rows_q = grid * _ROW_BLK
    n_pad = _N_STREAMS * rows_q

    def make_spec(q):
        return pl.BlockSpec((_ROW_BLK, d), lambda i, q=q: (i + stride_blk * q, 0))

    t = pl.pallas_call(
        _project_body,
        grid=(grid,),
        in_specs=[make_spec(q) for q in range(_N_STREAMS)]
        + [
            pl.BlockSpec((d, 1), lambda i: (0, 0)),
            pl.BlockSpec((1, 1), lambda i: (0, 0)),
        ],
        out_specs=pl.BlockSpec(
            (_N_STREAMS, _ROW_BLK // 128, 128), lambda i: (0, i, 0)
        ),
        out_shape=jax.ShapeDtypeStruct(
            (_N_STREAMS, rows_q // 128, 128), jnp.float32
        ),
    )(*([table] * _N_STREAMS), W, b.reshape(1, 1))
    return t.reshape(n_pad)


def _quarter_geometry(n):
    stride_blk = n // (_N_STREAMS * _ROW_BLK)
    grid = -(-(n - stride_blk * (_N_STREAMS - 1) * _ROW_BLK) // _ROW_BLK)
    return stride_blk, grid


def _t_position(idx, n):
    stride_blk, grid = _quarter_geometry(n)
    q_rows = stride_blk * _ROW_BLK
    q = jnp.minimum(idx // q_rows, _N_STREAMS - 1)
    return idx + (grid - stride_blk) * _ROW_BLK * q


def _make_pool(nw, nc, ns, rpw, hist, n_t):
    mesh = plsc.VectorSubcoreMesh(core_axis_name="c", subcore_axis_name="s")
    t_slice = n_t // ns

    @functools.partial(
        pl.kernel,
        out_type=jax.ShapeDtypeStruct((nw * rpw,), jnp.float32),
        mesh=mesh,
        scratch_types=[
            pltpu.VMEM((hist * rpw,), jnp.int32),
            pltpu.VMEM((hist * rpw,), jnp.float32),
            pltpu.VMEM((rpw,), jnp.float32),
            pltpu.VMEM_SHARED((n_t,), jnp.float32),
            pltpu.SemaphoreType.DMA,
        ],
    )
    def pool(t_hbm, idx_hbm, out_hbm, idx_v, vals_v, res_v, t_sh, sem):
        cid = lax.axis_index("c")
        sid = lax.axis_index("s")
        wid = sid * nc + cid
        pltpu.sync_copy(
            t_hbm.at[pl.ds(sid * t_slice, t_slice)],
            t_sh.at[pl.ds(sid * t_slice, t_slice)],
        )
        pltpu.sync_copy(idx_hbm.at[wid], idx_v)
        plsc.subcore_barrier()
        pltpu.async_copy(t_sh.at[idx_v], vals_v, sem).wait()
        scale = 1.0 / hist
        for g in range(rpw // 16):
            def body(j, acc, g=g):
                return acc + vals_v[pl.ds(j * rpw + g * 16, 16)]
            acc = lax.fori_loop(
                0, hist, body, jnp.zeros((16,), jnp.float32), unroll=4
            )
            res_v[pl.ds(g * 16, 16)] = acc * scale
        pltpu.sync_copy(res_v, out_hbm.at[pl.ds(wid * rpw, rpw)])

    return pool


def kernel(x, table, W, b):
    batch, hist = x.shape
    info = plsc.get_sparse_core_info()
    nc, ns = info.num_cores, info.num_subcores
    nw = nc * ns
    rpw = batch // nw
    t = _project(table, W, b)
    idx = (
        _t_position(x.astype(jnp.int32), table.shape[0])
        .reshape(nw, rpw, hist)
        .transpose(0, 2, 1)
        .reshape(nw, hist * rpw)
    )
    y = _make_pool(nw, nc, ns, rpw, hist, t.shape[0])(t, idx)
    return y.reshape(batch, 1)

# --- scband reference (transcript-rebuilt; emitter-appended) ---
"""Pipeline reference for scband-network-64587718197993 (READ-ONLY COPY).

The authoritative reference and input builder live on the scoring server;
editing this copy changes nothing except your own understanding.
"""

import jax, jax.numpy as jnp
import numpy as np

NUM_EMBEDDINGS = 1000000
EMBEDDING_SIZE = 32
OUT_SIZE = 1
BATCH = 4096
HIST_LEN = 200

def setup_inputs(seed: int = 0) -> dict:
    key = jax.random.key(seed)
    k1, k2, k3 = jax.random.split(key, 3)
    x = jax.random.randint(k1, (BATCH, HIST_LEN), 0, NUM_EMBEDDINGS)
    table = jax.random.normal(k2, (NUM_EMBEDDINGS, EMBEDDING_SIZE), dtype=jnp.float32) * 0.02
    W = jax.random.normal(k3, (EMBEDDING_SIZE, OUT_SIZE), dtype=jnp.float32) * (1.0 / np.sqrt(EMBEDDING_SIZE))
    b = jnp.zeros((OUT_SIZE,), dtype=jnp.float32)
    return {"x": x, "table": table, "W": W, "b": b}

def reference(x, table, W, b):
    # nn.Embedding lookup: gather rows of table by index
    embedded = jnp.take(table, x, axis=0)          # [B, L, D]
    embedded_flat = embedded.mean(axis=1)           # [B, D]
    y_hat = embedded_flat @ W + b                   # [B, out_size]
    return y_hat

if __name__ == "__main__":
    import jax
    _d = setup_inputs()
    print(jax.jit(kernel)(*tuple(_d.values())))

</pallas_src>

<mosaic_0001>
#map = affine_map<(d0, d1) -> (0)>
#map1 = affine_map<(d0, d1) -> (0, 0)>
module attributes {stable_mosaic.version = 14 : i64} {
  func.func @pool(%arg0: i32, %arg1: i32, %arg2: memref<1015808xf32, #tpu.memory_space<hbm>>, %arg3: memref<32x25600xi32, #tpu.memory_space<hbm>>, %arg4: memref<4096xf32, #tpu.memory_space<hbm>>, %arg5: memref<25600xi32, #tpu.memory_space<vmem>>, %arg6: memref<25600xf32, #tpu.memory_space<vmem>>, %arg7: memref<128xf32, #tpu.memory_space<vmem>>, %arg8: memref<1015808xf32, #tpu.memory_space<vmem_shared>>, %arg9: memref<!tpu.dma_semaphore, #tpu.memory_space<semaphore_mem>>) attributes {dimension_semantics = [#tpu.dimension_semantics<core_parallel>, #tpu.dimension_semantics<subcore_parallel>], iteration_bounds = array<i64: 2, 16>, scalar_prefetch = 0 : i64, scratch_operands = 5 : i64, tpu.core_type = #tpu.core_type<sc_vector_subcore>, window_params = [{transform_indices = #map}, {transform_indices = #map1}, {transform_indices = #map}]} {
    %mul3A = arith.constant 2 : i32
    %mul3A_0 = arith.muli %arg1, %mul3A : i32
    %add3A = arith.addi %mul3A_0, %arg0 : i32
    %mul3A_1 = arith.constant 63488 : i32
    %mul3A_2 = arith.muli %arg1, %mul3A_1 : i32
    %mul3A_3 = arith.constant 63488 : i32
    %mul3A_4 = arith.muli %arg1, %mul3A_3 : i32
    "tpu.region"() ({
      %run_scoped3A = tpu.sem_alloc : memref<!tpu.dma_semaphore, #tpu.memory_space<semaphore_mem>>
      %dma_start3A_126 = tpu.memref_slice %arg8[%mul3A_4] : memref<1015808xf32, #tpu.memory_space<vmem_shared>> -> memref<63488xf32, #tpu.memory_space<vmem_shared>>
      %dma_start3A_127 = tpu.memref_slice %arg2[%mul3A_2] : memref<1015808xf32, #tpu.memory_space<hbm>> -> memref<63488xf32, #tpu.memory_space<hbm>>
      tpu.enqueue_dma source(%dma_start3A_127 : memref<63488xf32, #tpu.memory_space<hbm>>) target(%dma_start3A_126 : memref<63488xf32, #tpu.memory_space<vmem_shared>>) target_semaphore(%run_scoped3A : memref<!tpu.dma_semaphore, #tpu.memory_space<semaphore_mem>>)
      %dma_wait3A_128 = tpu.memref_slice %arg8[%mul3A_4] : memref<1015808xf32, #tpu.memory_space<vmem_shared>> -> memref<63488xf32, #tpu.memory_space<vmem_shared>>
      %dma_wait3A_129 = tpu.memref_slice %arg2[%mul3A_2] : memref<1015808xf32, #tpu.memory_space<hbm>> -> memref<63488xf32, #tpu.memory_space<hbm>>
      tpu.wait_dma2 semaphore(%run_scoped3A : memref<!tpu.dma_semaphore, #tpu.memory_space<semaphore_mem>>) src(%dma_wait3A_129 : memref<63488xf32, #tpu.memory_space<hbm>>) dst(%dma_wait3A_128 : memref<63488xf32, #tpu.memory_space<vmem_shared>>)
      tpu.yield
    }) : () -> ()
    "tpu.region"() ({
      %run_scoped3A = tpu.sem_alloc : memref<!tpu.dma_semaphore, #tpu.memory_space<semaphore_mem>>
      %dma_start3A_126 = arith.constant 0 : i32
      %dma_start3A_127 = tpu.memref_slice %arg3[%add3A, %dma_start3A_126] : memref<32x25600xi32, #tpu.memory_space<hbm>> -> memref<1x25600xi32, #tpu.memory_space<hbm>>
      %dma_start3A_128 = tpu.memref_squeeze %dma_start3A_127 : memref<1x25600xi32, #tpu.memory_space<hbm>> -> memref<25600xi32, #tpu.memory_space<hbm>>
      %dma_start3A_129 = arith.constant 0 : i32
      %dma_start3A_130 = tpu.memref_slice %arg3[%add3A, %dma_start3A_129] : memref<32x25600xi32, #tpu.memory_space<hbm>> -> memref<1x25600xi32, #tpu.memory_space<hbm>>
      %dma_start3A_131 = tpu.memref_squeeze %dma_start3A_130 : memref<1x25600xi32, #tpu.memory_space<hbm>> -> memref<25600xi32, #tpu.memory_space<hbm>>
      tpu.enqueue_dma source(%dma_start3A_131 : memref<25600xi32, #tpu.memory_space<hbm>>) target(%arg5 : memref<25600xi32, #tpu.memory_space<vmem>>) target_semaphore(%run_scoped3A : memref<!tpu.dma_semaphore, #tpu.memory_space<semaphore_mem>>)
      %dma_wait3A_132 = arith.constant 0 : i32
      %dma_wait3A_133 = tpu.memref_slice %arg3[%add3A, %dma_wait3A_132] : memref<32x25600xi32, #tpu.memory_space<hbm>> -> memref<1x25600xi32, #tpu.memory_space<hbm>>
      %dma_wait3A_134 = tpu.memref_squeeze %dma_wait3A_133 : memref<1x25600xi32, #tpu.memory_space<hbm>> -> memref<25600xi32, #tpu.memory_space<hbm>>
      %dma_wait3A_135 = arith.constant 0 : i32
      %dma_wait3A_136 = tpu.memref_slice %arg3[%add3A, %dma_wait3A_135] : memref<32x25600xi32, #tpu.memory_space<hbm>> -> memref<1x25600xi32, #tpu.memory_space<hbm>>
      %dma_wait3A_137 = tpu.memref_squeeze %dma_wait3A_136 : memref<1x25600xi32, #tpu.memory_space<hbm>> -> memref<25600xi32, #tpu.memory_space<hbm>>
      tpu.wait_dma2 semaphore(%run_scoped3A : memref<!tpu.dma_semaphore, #tpu.memory_space<semaphore_mem>>) src(%dma_wait3A_137 : memref<25600xi32, #tpu.memory_space<hbm>>) dst(%arg5 : memref<25600xi32, #tpu.memory_space<vmem>>)
      tpu.yield
    }) : () -> ()
    %barrier3A = arith.constant 0 : index
    tpu.barrier barrier_id(%barrier3A)
    %dma_start3A = arith.constant 0 : i32
    %dma_start3A_5 = tpu.memref_slice %arg8[%dma_start3A] : memref<1015808xf32, #tpu.memory_space<vmem_shared>> -> memref<1015808xf32, #tpu.memory_space<vmem_shared>>
    tpu.enqueue_indirect_dma source(%dma_start3A_5 : memref<1015808xf32, #tpu.memory_space<vmem_shared>>) target(%arg6 : memref<25600xf32, #tpu.memory_space<vmem>>) offsets(%arg5 : memref<25600xi32, #tpu.memory_space<vmem>>) semaphore(%arg9 : memref<!tpu.dma_semaphore, #tpu.memory_space<semaphore_mem>>)
    %dma_wait3A = arith.constant 0 : i32
    %dma_wait3A_6 = tpu.memref_slice %arg8[%dma_wait3A] : memref<1015808xf32, #tpu.memory_space<vmem_shared>> -> memref<1015808xf32, #tpu.memory_space<vmem_shared>>
    tpu.wait_indirect_dma semaphore(%arg9 : memref<!tpu.dma_semaphore, #tpu.memory_space<semaphore_mem>>) src(%dma_wait3A_6 : memref<1015808xf32, #tpu.memory_space<vmem_shared>>) dst(%arg6 : memref<25600xf32, #tpu.memory_space<vmem>>)
    %broadcast_in_dim3A = arith.constant 0.000000e+00 : f32
    %broadcast_in_dim3A_7 = vector.broadcast %broadcast_in_dim3A : f32 to vector<16xf32>
    %scan3A = arith.constant 0 : i32
    %scan3A_8 = arith.constant 200 : i32
    %scan3A_9 = arith.addi %scan3A, %scan3A_8 : i32
    %scan3A_10 = arith.constant 4 : i32
    %scan3A_11 = scf.for %scan3A_126 = %scan3A to %scan3A_9 step %scan3A_10 iter_args(%scan3A_127 = %broadcast_in_dim3A_7) -> (vector<16xf32>)  : i32 {
      %mul3A_128 = arith.constant 128 : i32
      %mul3A_129 = arith.muli %scan3A_126, %mul3A_128 : i32
      %add3A_130 = arith.constant 0 : i32
      %add3A_131 = arith.addi %mul3A_129, %add3A_130 : i32
      %get3A = arith.index_cast %add3A_131 : i32 to index
      %get3A_132 = tpu.vector_load %arg6[%get3A] {strides = array<i32>} : memref<25600xf32, #tpu.memory_space<vmem>>, vector<16xf32>,
      %get3A_133 = vector.shape_cast %get3A_132 : vector<16xf32> to vector<16xf32>
      %add3A_134 = arith.addf %scan3A_127, %get3A_133 : vector<16xf32>
      %scan3A_135 = arith.constant 1 : i32
      %scan3A_136 = arith.addi %scan3A_126, %scan3A_135 : i32
      %mul3A_137 = arith.constant 128 : i32
      %mul3A_138 = arith.muli %scan3A_136, %mul3A_137 : i32
      %add3A_139 = arith.constant 0 : i32
      %add3A_140 = arith.addi %mul3A_138, %add3A_139 : i32
      %get3A_141 = arith.index_cast %add3A_140 : i32 to index
      %get3A_142 = tpu.vector_load %arg6[%get3A_141] {strides = array<i32>} : memref<25600xf32, #tpu.memory_space<vmem>>, vector<16xf32>,
      %get3A_143 = vector.shape_cast %get3A_142 : vector<16xf32> to vector<16xf32>
      %add3A_144 = arith.addf %add3A_134, %get3A_143 : vector<16xf32>
      %scan3A_145 = arith.constant 2 : i32
      %scan3A_146 = arith.addi %scan3A_126, %scan3A_145 : i32
      %mul3A_147 = arith.constant 128 : i32
      %mul3A_148 = arith.muli %scan3A_146, %mul3A_147 : i32
      %add3A_149 = arith.constant 0 : i32
      %add3A_150 = arith.addi %mul3A_148, %add3A_149 : i32
      %get3A_151 = arith.index_cast %add3A_150 : i32 to index
      %get3A_152 = tpu.vector_load %arg6[%get3A_151] {strides = array<i32>} : memref<25600xf32, #tpu.memory_space<vmem>>, vector<16xf32>,
      %get3A_153 = vector.shape_cast %get3A_152 : vector<16xf32> to vector<16xf32>
      %add3A_154 = arith.addf %add3A_144, %get3A_153 : vector<16xf32>
      %scan3A_155 = arith.constant 3 : i32
      %scan3A_156 = arith.addi %scan3A_126, %scan3A_155 : i32
      %mul3A_157 = arith.constant 128 : i32
      %mul3A_158 = arith.muli %scan3A_156, %mul3A_157 : i32
      %add3A_159 = arith.constant 0 : i32
      %add3A_160 = arith.addi %mul3A_158, %add3A_159 : i32
      %get3A_161 = arith.index_cast %add3A_160 : i32 to index
      %get3A_162 = tpu.vector_load %arg6[%get3A_161] {strides = array<i32>} : memref<25600xf32, #tpu.memory_space<vmem>>, vector<16xf32>,
      %get3A_163 = vector.shape_cast %get3A_162 : vector<16xf32> to vector<16xf32>
      %add3A_164 = arith.addf %add3A_154, %get3A_163 : vector<16xf32>
      scf.yield %add3A_164 : vector<16xf32>
    }
    %scan3A_12 = arith.constant 200 : i32
    %mul3A_13 = arith.constant 5.000000e-03 : f32
    %mul3A_14 = vector.broadcast %mul3A_13 : f32 to vector<16xf32>
    %mul3A_15 = arith.mulf %scan3A_11, %mul3A_14 : vector<16xf32>
    %swap3A = arith.constant 0 : index
    %swap3A_16 = tpu.vector_load %arg7[%swap3A] {strides = array<i32>} : memref<128xf32, #tpu.memory_space<vmem>>, vector<16xf32>,
    %swap3A_17 = vector.shape_cast %swap3A_16 : vector<16xf32> to vector<16xf32>
    %swap3A_18 = vector.shape_cast %mul3A_15 : vector<16xf32> to vector<16xf32>
    tpu.vector_store %arg7[%swap3A], %swap3A_18 {strides = array<i32>} : memref<128xf32, #tpu.memory_space<vmem>>, vector<16xf32>,
    %broadcast_in_dim3A_19 = arith.constant 0.000000e+00 : f32
    %broadcast_in_dim3A_20 = vector.broadcast %broadcast_in_dim3A_19 : f32 to vector<16xf32>
    %scan3A_21 = arith.constant 0 : i32
    %scan3A_22 = arith.constant 200 : i32
    %scan3A_23 = arith.addi %scan3A_21, %scan3A_22 : i32
    %scan3A_24 = arith.constant 4 : i32
    %scan3A_25 = scf.for %scan3A_126 = %scan3A_21 to %scan3A_23 step %scan3A_24 iter_args(%scan3A_127 = %broadcast_in_dim3A_20) -> (vector<16xf32>)  : i32 {
      %mul3A_128 = arith.constant 128 : i32
      %mul3A_129 = arith.muli %scan3A_126, %mul3A_128 : i32
      %add3A_130 = arith.constant 16 : i32
      %add3A_131 = arith.addi %mul3A_129, %add3A_130 : i32
      %get3A = arith.index_cast %add3A_131 : i32 to index
      %get3A_132 = tpu.vector_load %arg6[%get3A] {strides = array<i32>} : memref<25600xf32, #tpu.memory_space<vmem>>, vector<16xf32>,
      %get3A_133 = vector.shape_cast %get3A_132 : vector<16xf32> to vector<16xf32>
      %add3A_134 = arith.addf %scan3A_127, %get3A_133 : vector<16xf32>
      %scan3A_135 = arith.constant 1 : i32
      %scan3A_136 = arith.addi %scan3A_126, %scan3A_135 : i32
      %mul3A_137 = arith.constant 128 : i32
      %mul3A_138 = arith.muli %scan3A_136, %mul3A_137 : i32
      %add3A_139 = arith.constant 16 : i32
      %add3A_140 = arith.addi %mul3A_138, %add3A_139 : i32
      %get3A_141 = arith.index_cast %add3A_140 : i32 to index
      %get3A_142 = tpu.vector_load %arg6[%get3A_141] {strides = array<i32>} : memref<25600xf32, #tpu.memory_space<vmem>>, vector<16xf32>,
      %get3A_143 = vector.shape_cast %get3A_142 : vector<16xf32> to vector<16xf32>
      %add3A_144 = arith.addf %add3A_134, %get3A_143 : vector<16xf32>
      %scan3A_145 = arith.constant 2 : i32
      %scan3A_146 = arith.addi %scan3A_126, %scan3A_145 : i32
      %mul3A_147 = arith.constant 128 : i32
      %mul3A_148 = arith.muli %scan3A_146, %mul3A_147 : i32
      %add3A_149 = arith.constant 16 : i32
      %add3A_150 = arith.addi %mul3A_148, %add3A_149 : i32
      %get3A_151 = arith.index_cast %add3A_150 : i32 to index
      %get3A_152 = tpu.vector_load %arg6[%get3A_151] {strides = array<i32>} : memref<25600xf32, #tpu.memory_space<vmem>>, vector<16xf32>,
      %get3A_153 = vector.shape_cast %get3A_152 : vector<16xf32> to vector<16xf32>
      %add3A_154 = arith.addf %add3A_144, %get3A_153 : vector<16xf32>
      %scan3A_155 = arith.constant 3 : i32
      %scan3A_156 = arith.addi %scan3A_126, %scan3A_155 : i32
      %mul3A_157 = arith.constant 128 : i32
      %mul3A_158 = arith.muli %scan3A_156, %mul3A_157 : i32
      %add3A_159 = arith.constant 16 : i32
      %add3A_160 = arith.addi %mul3A_158, %add3A_159 : i32
      %get3A_161 = arith.index_cast %add3A_160 : i32 to index
      %get3A_162 = tpu.vector_load %arg6[%get3A_161] {strides = array<i32>} : memref<25600xf32, #tpu.memory_space<vmem>>, vector<16xf32>,
      %get3A_163 = vector.shape_cast %get3A_162 : vector<16xf32> to vector<16xf32>
      %add3A_164 = arith.addf %add3A_154, %get3A_163 : vector<16xf32>
      scf.yield %add3A_164 : vector<16xf32>
    }
    %scan3A_26 = arith.constant 200 : i32
    %mul3A_27 = arith.constant 5.000000e-03 : f32
    %mul3A_28 = vector.broadcast %mul3A_27 : f32 to vector<16xf32>
    %mul3A_29 = arith.mulf %scan3A_25, %mul3A_28 : vector<16xf32>
    %swap3A_30 = arith.constant 16 : index
    %swap3A_31 = tpu.vector_load %arg7[%swap3A_30] {strides = array<i32>} : memref<128xf32, #tpu.memory_space<vmem>>, vector<16xf32>,
    %swap3A_32 = vector.shape_cast %swap3A_31 : vector<16xf32> to vector<16xf32>
    %swap3A_33 = vector.shape_cast %mul3A_29 : vector<16xf32> to vector<16xf32>
    tpu.vector_store %arg7[%swap3A_30], %swap3A_33 {strides = array<i32>} : memref<128xf32, #tpu.memory_space<vmem>>, vector<16xf32>,
    %broadcast_in_dim3A_34 = arith.constant 0.000000e+00 : f32
    %broadcast_in_dim3A_35 = vector.broadcast %broadcast_in_dim3A_34 : f32 to vector<16xf32>
    %scan3A_36 = arith.constant 0 : i32
    %scan3A_37 = arith.constant 200 : i32
    %scan3A_38 = arith.addi %scan3A_36, %scan3A_37 : i32
    %scan3A_39 = arith.constant 4 : i32
    %scan3A_40 = scf.for %scan3A_126 = %scan3A_36 to %scan3A_38 step %scan3A_39 iter_args(%scan3A_127 = %broadcast_in_dim3A_35) -> (vector<16xf32>)  : i32 {
      %mul3A_128 = arith.constant 128 : i32
      %mul3A_129 = arith.muli %scan3A_126, %mul3A_128 : i32
      %add3A_130 = arith.constant 32 : i32
      %add3A_131 = arith.addi %mul3A_129, %add3A_130 : i32
      %get3A = arith.index_cast %add3A_131 : i32 to index
      %get3A_132 = tpu.vector_load %arg6[%get3A] {strides = array<i32>} : memref<25600xf32, #tpu.memory_space<vmem>>, vector<16xf32>,
      %get3A_133 = vector.shape_cast %get3A_132 : vector<16xf32> to vector<16xf32>
      %add3A_134 = arith.addf %scan3A_127, %get3A_133 : vector<16xf32>
      %scan3A_135 = arith.constant 1 : i32
      %scan3A_136 = arith.addi %scan3A_126, %scan3A_135 : i32
      %mul3A_137 = arith.constant 128 : i32
      %mul3A_138 = arith.muli %scan3A_136, %mul3A_137 : i32
      %add3A_139 = arith.constant 32 : i32
      %add3A_140 = arith.addi %mul3A_138, %add3A_139 : i32
      %get3A_141 = arith.index_cast %add3A_140 : i32 to index
      %get3A_142 = tpu.vector_load %arg6[%get3A_141] {strides = array<i32>} : memref<25600xf32, #tpu.memory_space<vmem>>, vector<16xf32>,
      %get3A_143 = vector.shape_cast %get3A_142 : vector<16xf32> to vector<16xf32>
      %add3A_144 = arith.addf %add3A_134, %get3A_143 : vector<16xf32>
      %scan3A_145 = arith.constant 2 : i32
      %scan3A_146 = arith.addi %scan3A_126, %scan3A_145 : i32
      %mul3A_147 = arith.constant 128 : i32
      %mul3A_148 = arith.muli %scan3A_146, %mul3A_147 : i32
      %add3A_149 = arith.constant 32 : i32
      %add3A_150 = arith.addi %mul3A_148, %add3A_149 : i32
      %get3A_151 = arith.index_cast %add3A_150 : i32 to index
      %get3A_152 = tpu.vector_load %arg6[%get3A_151] {strides = array<i32>} : memref<25600xf32, #tpu.memory_space<vmem>>, vector<16xf32>,
      %get3A_153 = vector.shape_cast %get3A_152 : vector<16xf32> to vector<16xf32>
      %add3A_154 = arith.addf %add3A_144, %get3A_153 : vector<16xf32>
      %scan3A_155 = arith.constant 3 : i32
      %scan3A_156 = arith.addi %scan3A_126, %scan3A_155 : i32
      %mul3A_157 = arith.constant 128 : i32
      %mul3A_158 = arith.muli %scan3A_156, %mul3A_157 : i32
      %add3A_159 = arith.constant 32 : i32
      %add3A_160 = arith.addi %mul3A_158, %add3A_159 : i32
      %get3A_161 = arith.index_cast %add3A_160 : i32 to index
      %get3A_162 = tpu.vector_load %arg6[%get3A_161] {strides = array<i32>} : memref<25600xf32, #tpu.memory_space<vmem>>, vector<16xf32>,
      %get3A_163 = vector.shape_cast %get3A_162 : vector<16xf32> to vector<16xf32>
      %add3A_164 = arith.addf %add3A_154, %get3A_163 : vector<16xf32>
      scf.yield %add3A_164 : vector<16xf32>
    }
    %scan3A_41 = arith.constant 200 : i32
    %mul3A_42 = arith.constant 5.000000e-03 : f32
    %mul3A_43 = vector.broadcast %mul3A_42 : f32 to vector<16xf32>
    %mul3A_44 = arith.mulf %scan3A_40, %mul3A_43 : vector<16xf32>
    %swap3A_45 = arith.constant 32 : index
    %swap3A_46 = tpu.vector_load %arg7[%swap3A_45] {strides = array<i32>} : memref<128xf32, #tpu.memory_space<vmem>>, vector<16xf32>,
    %swap3A_47 = vector.shape_cast %swap3A_46 : vector<16xf32> to vector<16xf32>
    %swap3A_48 = vector.shape_cast %mul3A_44 : vector<16xf32> to vector<16xf32>
    tpu.vector_store %arg7[%swap3A_45], %swap3A_48 {strides = array<i32>} : memref<128xf32, #tpu.memory_space<vmem>>, vector<16xf32>,
    %broadcast_in_dim3A_49 = arith.constant 0.000000e+00 : f32
    %broadcast_in_dim3A_50 = vector.broadcast %broadcast_in_dim3A_49 : f32 to vector<16xf32>
    %scan3A_51 = arith.constant 0 : i32
    %scan3A_52 = arith.constant 200 : i32
    %scan3A_53 = arith.addi %scan3A_51, %scan3A_52 : i32
    %scan3A_54 = arith.constant 4 : i32
    %scan3A_55 = scf.for %scan3A_126 = %scan3A_51 to %scan3A_53 step %scan3A_54 iter_args(%scan3A_127 = %broadcast_in_dim3A_50) -> (vector<16xf32>)  : i32 {
      %mul3A_128 = arith.constant 128 : i32
      %mul3A_129 = arith.muli %scan3A_126, %mul3A_128 : i32
      %add3A_130 = arith.constant 48 : i32
      %add3A_131 = arith.addi %mul3A_129, %add3A_130 : i32
      %get3A = arith.index_cast %add3A_131 : i32 to index
      %get3A_132 = tpu.vector_load %arg6[%get3A] {strides = array<i32>} : memref<25600xf32, #tpu.memory_space<vmem>>, vector<16xf32>,
      %get3A_133 = vector.shape_cast %get3A_132 : vector<16xf32> to vector<16xf32>
      %add3A_134 = arith.addf %scan3A_127, %get3A_133 : vector<16xf32>
      %scan3A_135 = arith.constant 1 : i32
      %scan3A_136 = arith.addi %scan3A_126, %scan3A_135 : i32
      %mul3A_137 = arith.constant 128 : i32
      %mul3A_138 = arith.muli %scan3A_136, %mul3A_137 : i32
      %add3A_139 = arith.constant 48 : i32
      %add3A_140 = arith.addi %mul3A_138, %add3A_139 : i32
      %get3A_141 = arith.index_cast %add3A_140 : i32 to index
      %get3A_142 = tpu.vector_load %arg6[%get3A_141] {strides = array<i32>} : memref<25600xf32, #tpu.memory_space<vmem>>, vector<16xf32>,
      %get3A_143 = vector.shape_cast %get3A_142 : vector<16xf32> to vector<16xf32>
      %add3A_144 = arith.addf %add3A_134, %get3A_143 : vector<16xf32>
      %scan3A_145 = arith.constant 2 : i32
      %scan3A_146 = arith.addi %scan3A_126, %scan3A_145 : i32
      %mul3A_147 = arith.constant 128 : i32
      %mul3A_148 = arith.muli %scan3A_146, %mul3A_147 : i32
      %add3A_149 = arith.constant 48 : i32
      %add3A_150 = arith.addi %mul3A_148, %add3A_149 : i32
      %get3A_151 = arith.index_cast %add3A_150 : i32 to index
      %get3A_152 = tpu.vector_load %arg6[%get3A_151] {strides = array<i32>} : memref<25600xf32, #tpu.memory_space<vmem>>, vector<16xf32>,
      %get3A_153 = vector.shape_cast %get3A_152 : vector<16xf32> to vector<16xf32>
      %add3A_154 = arith.addf %add3A_144, %get3A_153 : vector<16xf32>
      %scan3A_155 = arith.constant 3 : i32
      %scan3A_156 = arith.addi %scan3A_126, %scan3A_155 : i32
      %mul3A_157 = arith.constant 128 : i32
      %mul3A_158 = arith.muli %scan3A_156, %mul3A_157 : i32
      %add3A_159 = arith.constant 48 : i32
      %add3A_160 = arith.addi %mul3A_158, %add3A_159 : i32
      %get3A_161 = arith.index_cast %add3A_160 : i32 to index
      %get3A_162 = tpu.vector_load %arg6[%get3A_161] {strides = array<i32>} : memref<25600xf32, #tpu.memory_space<vmem>>, vector<16xf32>,
      %get3A_163 = vector.shape_cast %get3A_162 : vector<16xf32> to vector<16xf32>
      %add3A_164 = arith.addf %add3A_154, %get3A_163 : vector<16xf32>
      scf.yield %add3A_164 : vector<16xf32>
    }
    %scan3A_56 = arith.constant 200 : i32
    %mul3A_57 = arith.constant 5.000000e-03 : f32
    %mul3A_58 = vector.broadcast %mul3A_57 : f32 to vector<16xf32>
    %mul3A_59 = arith.mulf %scan3A_55, %mul3A_58 : vector<16xf32>
    %swap3A_60 = arith.constant 48 : index
    %swap3A_61 = tpu.vector_load %arg7[%swap3A_60] {strides = array<i32>} : memref<128xf32, #tpu.memory_space<vmem>>, vector<16xf32>,
    %swap3A_62 = vector.shape_cast %swap3A_61 : vector<16xf32> to vector<16xf32>
    %swap3A_63 = vector.shape_cast %mul3A_59 : vector<16xf32> to vector<16xf32>
    tpu.vector_store %arg7[%swap3A_60], %swap3A_63 {strides = array<i32>} : memref<128xf32, #tpu.memory_space<vmem>>, vector<16xf32>,
    %broadcast_in_dim3A_64 = arith.constant 0.000000e+00 : f32
    %broadcast_in_dim3A_65 = vector.broadcast %broadcast_in_dim3A_64 : f32 to vector<16xf32>
    %scan3A_66 = arith.constant 0 : i32
    %scan3A_67 = arith.constant 200 : i32
    %scan3A_68 = arith.addi %scan3A_66, %scan3A_67 : i32
    %scan3A_69 = arith.constant 4 : i32
    %scan3A_70 = scf.for %scan3A_126 = %scan3A_66 to %scan3A_68 step %scan3A_69 iter_args(%scan3A_127 = %broadcast_in_dim3A_65) -> (vector<16xf32>)  : i32 {
      %mul3A_128 = arith.constant 128 : i32
      %mul3A_129 = arith.muli %scan3A_126, %mul3A_128 : i32
      %add3A_130 = arith.constant 64 : i32
      %add3A_131 = arith.addi %mul3A_129, %add3A_130 : i32
      %get3A = arith.index_cast %add3A_131 : i32 to index
      %get3A_132 = tpu.vector_load %arg6[%get3A] {strides = array<i32>} : memref<25600xf32, #tpu.memory_space<vmem>>, vector<16xf32>,
      %get3A_133 = vector.shape_cast %get3A_132 : vector<16xf32> to vector<16xf32>
      %add3A_134 = arith.addf %scan3A_127, %get3A_133 : vector<16xf32>
      %scan3A_135 = arith.constant 1 : i32
      %scan3A_136 = arith.addi %scan3A_126, %scan3A_135 : i32
      %mul3A_137 = arith.constant 128 : i32
      %mul3A_138 = arith.muli %scan3A_136, %mul3A_137 : i32
      %add3A_139 = arith.constant 64 : i32
      %add3A_140 = arith.addi %mul3A_138, %add3A_139 : i32
      %get3A_141 = arith.index_cast %add3A_140 : i32 to index
      %get3A_142 = tpu.vector_load %arg6[%get3A_141] {strides = array<i32>} : memref<25600xf32, #tpu.memory_space<vmem>>, vector<16xf32>,
      %get3A_143 = vector.shape_cast %get3A_142 : vector<16xf32> to vector<16xf32>
      %add3A_144 = arith.addf %add3A_134, %get3A_143 : vector<16xf32>
      %scan3A_145 = arith.constant 2 : i32
      %scan3A_146 = arith.addi %scan3A_126, %scan3A_145 : i32
      %mul3A_147 = arith.constant 128 : i32
      %mul3A_148 = arith.muli %scan3A_146, %mul3A_147 : i32
      %add3A_149 = arith.constant 64 : i32
      %add3A_150 = arith.addi %mul3A_148, %add3A_149 : i32
      %get3A_151 = arith.index_cast %add3A_150 : i32 to index
      %get3A_152 = tpu.vector_load %arg6[%get3A_151] {strides = array<i32>} : memref<25600xf32, #tpu.memory_space<vmem>>, vector<16xf32>,
      %get3A_153 = vector.shape_cast %get3A_152 : vector<16xf32> to vector<16xf32>
      %add3A_154 = arith.addf %add3A_144, %get3A_153 : vector<16xf32>
      %scan3A_155 = arith.constant 3 : i32
      %scan3A_156 = arith.addi %scan3A_126, %scan3A_155 : i32
      %mul3A_157 = arith.constant 128 : i32
      %mul3A_158 = arith.muli %scan3A_156, %mul3A_157 : i32
      %add3A_159 = arith.constant 64 : i32
      %add3A_160 = arith.addi %mul3A_158, %add3A_159 : i32
      %get3A_161 = arith.index_cast %add3A_160 : i32 to index
      %get3A_162 = tpu.vector_load %arg6[%get3A_161] {strides = array<i32>} : memref<25600xf32, #tpu.memory_space<vmem>>, vector<16xf32>,
      %get3A_163 = vector.shape_cast %get3A_162 : vector<16xf32> to vector<16xf32>
      %add3A_164 = arith.addf %add3A_154, %get3A_163 : vector<16xf32>
      scf.yield %add3A_164 : vector<16xf32>
    }
    %scan3A_71 = arith.constant 200 : i32
    %mul3A_72 = arith.constant 5.000000e-03 : f32
    %mul3A_73 = vector.broadcast %mul3A_72 : f32 to vector<16xf32>
    %mul3A_74 = arith.mulf %scan3A_70, %mul3A_73 : vector<16xf32>
    %swap3A_75 = arith.constant 64 : index
    %swap3A_76 = tpu.vector_load %arg7[%swap3A_75] {strides = array<i32>} : memref<128xf32, #tpu.memory_space<vmem>>, vector<16xf32>,
    %swap3A_77 = vector.shape_cast %swap3A_76 : vector<16xf32> to vector<16xf32>
    %swap3A_78 = vector.shape_cast %mul3A_74 : vector<16xf32> to vector<16xf32>
    tpu.vector_store %arg7[%swap3A_75], %swap3A_78 {strides = array<i32>} : memref<128xf32, #tpu.memory_space<vmem>>, vector<16xf32>,
    %broadcast_in_dim3A_79 = arith.constant 0.000000e+00 : f32
    %broadcast_in_dim3A_80 = vector.broadcast %broadcast_in_dim3A_79 : f32 to vector<16xf32>
    %scan3A_81 = arith.constant 0 : i32
    %scan3A_82 = arith.constant 200 : i32
    %scan3A_83 = arith.addi %scan3A_81, %scan3A_82 : i32
    %scan3A_84 = arith.constant 4 : i32
    %scan3A_85 = scf.for %scan3A_126 = %scan3A_81 to %scan3A_83 step %scan3A_84 iter_args(%scan3A_127 = %broadcast_in_dim3A_80) -> (vector<16xf32>)  : i32 {
      %mul3A_128 = arith.constant 128 : i32
      %mul3A_129 = arith.muli %scan3A_126, %mul3A_128 : i32
      %add3A_130 = arith.constant 80 : i32
      %add3A_131 = arith.addi %mul3A_129, %add3A_130 : i32
      %get3A = arith.index_cast %add3A_131 : i32 to index
      %get3A_132 = tpu.vector_load %arg6[%get3A] {strides = array<i32>} : memref<25600xf32, #tpu.memory_space<vmem>>, vector<16xf32>,
      %get3A_133 = vector.shape_cast %get3A_132 : vector<16xf32> to vector<16xf32>
      %add3A_134 = arith.addf %scan3A_127, %get3A_133 : vector<16xf32>
      %scan3A_135 = arith.constant 1 : i32
      %scan3A_136 = arith.addi %scan3A_126, %scan3A_135 : i32
      %mul3A_137 = arith.constant 128 : i32
      %mul3A_138 = arith.muli %scan3A_136, %mul3A_137 : i32
      %add3A_139 = arith.constant 80 : i32
      %add3A_140 = arith.addi %mul3A_138, %add3A_139 : i32
      %get3A_141 = arith.index_cast %add3A_140 : i32 to index
      %get3A_142 = tpu.vector_load %arg6[%get3A_141] {strides = array<i32>} : memref<25600xf32, #tpu.memory_space<vmem>>, vector<16xf32>,
      %get3A_143 = vector.shape_cast %get3A_142 : vector<16xf32> to vector<16xf32>
      %add3A_144 = arith.addf %add3A_134, %get3A_143 : vector<16xf32>
      %scan3A_145 = arith.constant 2 : i32
      %scan3A_146 = arith.addi %scan3A_126, %scan3A_145 : i32
      %mul3A_147 = arith.constant 128 : i32
      %mul3A_148 = arith.muli %scan3A_146, %mul3A_147 : i32
      %add3A_149 = arith.constant 80 : i32
      %add3A_150 = arith.addi %mul3A_148, %add3A_149 : i32
      %get3A_151 = arith.index_cast %add3A_150 : i32 to index
      %get3A_152 = tpu.vector_load %arg6[%get3A_151] {strides = array<i32>} : memref<25600xf32, #tpu.memory_space<vmem>>, vector<16xf32>,
      %get3A_153 = vector.shape_cast %get3A_152 : vector<16xf32> to vector<16xf32>
      %add3A_154 = arith.addf %add3A_144, %get3A_153 : vector<16xf32>
      %scan3A_155 = arith.constant 3 : i32
      %scan3A_156 = arith.addi %scan3A_126, %scan3A_155 : i32
      %mul3A_157 = arith.constant 128 : i32
      %mul3A_158 = arith.muli %scan3A_156, %mul3A_157 : i32
      %add3A_159 = arith.constant 80 : i32
      %add3A_160 = arith.addi %mul3A_158, %add3A_159 : i32
      %get3A_161 = arith.index_cast %add3A_160 : i32 to index
      %get3A_162 = tpu.vector_load %arg6[%get3A_161] {strides = array<i32>} : memref<25600xf32, #tpu.memory_space<vmem>>, vector<16xf32>,
      %get3A_163 = vector.shape_cast %get3A_162 : vector<16xf32> to vector<16xf32>
      %add3A_164 = arith.addf %add3A_154, %get3A_163 : vector<16xf32>
      scf.yield %add3A_164 : vector<16xf32>
    }
    %scan3A_86 = arith.constant 200 : i32
    %mul3A_87 = arith.constant 5.000000e-03 : f32
    %mul3A_88 = vector.broadcast %mul3A_87 : f32 to vector<16xf32>
    %mul3A_89 = arith.mulf %scan3A_85, %mul3A_88 : vector<16xf32>
    %swap3A_90 = arith.constant 80 : index
    %swap3A_91 = tpu.vector_load %arg7[%swap3A_90] {strides = array<i32>} : memref<128xf32, #tpu.memory_space<vmem>>, vector<16xf32>,
    %swap3A_92 = vector.shape_cast %swap3A_91 : vector<16xf32> to vector<16xf32>
    %swap3A_93 = vector.shape_cast %mul3A_89 : vector<16xf32> to vector<16xf32>
    tpu.vector_store %arg7[%swap3A_90], %swap3A_93 {strides = array<i32>} : memref<128xf32, #tpu.memory_space<vmem>>, vector<16xf32>,
    %broadcast_in_dim3A_94 = arith.constant 0.000000e+00 : f32
    %broadcast_in_dim3A_95 = vector.broadcast %broadcast_in_dim3A_94 : f32 to vector<16xf32>
    %scan3A_96 = arith.constant 0 : i32
    %scan3A_97 = arith.constant 200 : i32
    %scan3A_98 = arith.addi %scan3A_96, %scan3A_97 : i32
    %scan3A_99 = arith.constant 4 : i32
    %scan3A_100 = scf.for %scan3A_126 = %scan3A_96 to %scan3A_98 step %scan3A_99 iter_args(%scan3A_127 = %broadcast_in_dim3A_95) -> (vector<16xf32>)  : i32 {
      %mul3A_128 = arith.constant 128 : i32
      %mul3A_129 = arith.muli %scan3A_126, %mul3A_128 : i32
      %add3A_130 = arith.constant 96 : i32
      %add3A_131 = arith.addi %mul3A_129, %add3A_130 : i32
      %get3A = arith.index_cast %add3A_131 : i32 to index
      %get3A_132 = tpu.vector_load %arg6[%get3A] {strides = array<i32>} : memref<25600xf32, #tpu.memory_space<vmem>>, vector<16xf32>,
      %get3A_133 = vector.shape_cast %get3A_132 : vector<16xf32> to vector<16xf32>
      %add3A_134 = arith.addf %scan3A_127, %get3A_133 : vector<16xf32>
      %scan3A_135 = arith.constant 1 : i32
      %scan3A_136 = arith.addi %scan3A_126, %scan3A_135 : i32
      %mul3A_137 = arith.constant 128 : i32
      %mul3A_138 = arith.muli %scan3A_136, %mul3A_137 : i32
      %add3A_139 = arith.constant 96 : i32
      %add3A_140 = arith.addi %mul3A_138, %add3A_139 : i32
      %get3A_141 = arith.index_cast %add3A_140 : i32 to index
      %get3A_142 = tpu.vector_load %arg6[%get3A_141] {strides = array<i32>} : memref<25600xf32, #tpu.memory_space<vmem>>, vector<16xf32>,
      %get3A_143 = vector.shape_cast %get3A_142 : vector<16xf32> to vector<16xf32>
      %add3A_144 = arith.addf %add3A_134, %get3A_143 : vector<16xf32>
      %scan3A_145 = arith.constant 2 : i32
      %scan3A_146 = arith.addi %scan3A_126, %scan3A_145 : i32
      %mul3A_147 = arith.constant 128 : i32
      %mul3A_148 = arith.muli %scan3A_146, %mul3A_147 : i32
      %add3A_149 = arith.constant 96 : i32
      %add3A_150 = arith.addi %mul3A_148, %add3A_149 : i32
      %get3A_151 = arith.index_cast %add3A_150 : i32 to index
      %get3A_152 = tpu.vector_load %arg6[%get3A_151] {strides = array<i32>} : memref<25600xf32, #tpu.memory_space<vmem>>, vector<16xf32>,
      %get3A_153 = vector.shape_cast %get3A_152 : vector<16xf32> to vector<16xf32>
      %add3A_154 = arith.addf %add3A_144, %get3A_153 : vector<16xf32>
      %scan3A_155 = arith.constant 3 : i32
      %scan3A_156 = arith.addi %scan3A_126, %scan3A_155 : i32
      %mul3A_157 = arith.constant 128 : i32
      %mul3A_158 = arith.muli %scan3A_156, %mul3A_157 : i32
      %add3A_159 = arith.constant 96 : i32
      %add3A_160 = arith.addi %mul3A_158, %add3A_159 : i32
      %get3A_161 = arith.index_cast %add3A_160 : i32 to index
      %get3A_162 = tpu.vector_load %arg6[%get3A_161] {strides = array<i32>} : memref<25600xf32, #tpu.memory_space<vmem>>, vector<16xf32>,
      %get3A_163 = vector.shape_cast %get3A_162 : vector<16xf32> to vector<16xf32>
      %add3A_164 = arith.addf %add3A_154, %get3A_163 : vector<16xf32>
      scf.yield %add3A_164 : vector<16xf32>
    }
    %scan3A_101 = arith.constant 200 : i32
    %mul3A_102 = arith.constant 5.000000e-03 : f32
    %mul3A_103 = vector.broadcast %mul3A_102 : f32 to vector<16xf32>
    %mul3A_104 = arith.mulf %scan3A_100, %mul3A_103 : vector<16xf32>
    %swap3A_105 = arith.constant 96 : index
    %swap3A_106 = tpu.vector_load %arg7[%swap3A_105] {strides = array<i32>} : memref<128xf32, #tpu.memory_space<vmem>>, vector<16xf32>,
    %swap3A_107 = vector.shape_cast %swap3A_106 : vector<16xf32> to vector<16xf32>
    %swap3A_108 = vector.shape_cast %mul3A_104 : vector<16xf32> to vector<16xf32>
    tpu.vector_store %arg7[%swap3A_105], %swap3A_108 {strides = array<i32>} : memref<128xf32, #tpu.memory_space<vmem>>, vector<16xf32>,
    %broadcast_in_dim3A_109 = arith.constant 0.000000e+00 : f32
    %broadcast_in_dim3A_110 = vector.broadcast %broadcast_in_dim3A_109 : f32 to vector<16xf32>
    %scan3A_111 = arith.constant 0 : i32
    %scan3A_112 = arith.constant 200 : i32
    %scan3A_113 = arith.addi %scan3A_111, %scan3A_112 : i32
    %scan3A_114 = arith.constant 4 : i32
    %scan3A_115 = scf.for %scan3A_126 = %scan3A_111 to %scan3A_113 step %scan3A_114 iter_args(%scan3A_127 = %broadcast_in_dim3A_110) -> (vector<16xf32>)  : i32 {
      %mul3A_128 = arith.constant 128 : i32
      %mul3A_129 = arith.muli %scan3A_126, %mul3A_128 : i32
      %add3A_130 = arith.constant 112 : i32
      %add3A_131 = arith.addi %mul3A_129, %add3A_130 : i32
      %get3A = arith.index_cast %add3A_131 : i32 to index
      %get3A_132 = tpu.vector_load %arg6[%get3A] {strides = array<i32>} : memref<25600xf32, #tpu.memory_space<vmem>>, vector<16xf32>,
      %get3A_133 = vector.shape_cast %get3A_132 : vector<16xf32> to vector<16xf32>
      %add3A_134 = arith.addf %scan3A_127, %get3A_133 : vector<16xf32>
      %scan3A_135 = arith.constant 1 : i32
      %scan3A_136 = arith.addi %scan3A_126, %scan3A_135 : i32
      %mul3A_137 = arith.constant 128 : i32
      %mul3A_138 = arith.muli %scan3A_136, %mul3A_137 : i32
      %add3A_139 = arith.constant 112 : i32
      %add3A_140 = arith.addi %mul3A_138, %add3A_139 : i32
      %get3A_141 = arith.index_cast %add3A_140 : i32 to index
      %get3A_142 = tpu.vector_load %arg6[%get3A_141] {strides = array<i32>} : memref<25600xf32, #tpu.memory_space<vmem>>, vector<16xf32>,
      %get3A_143 = vector.shape_cast %get3A_142 : vector<16xf32> to vector<16xf32>
      %add3A_144 = arith.addf %add3A_134, %get3A_143 : vector<16xf32>
      %scan3A_145 = arith.constant 2 : i32
      %scan3A_146 = arith.addi %scan3A_126, %scan3A_145 : i32
      %mul3A_147 = arith.constant 128 : i32
      %mul3A_148 = arith.muli %scan3A_146, %mul3A_147 : i32
      %add3A_149 = arith.constant 112 : i32
      %add3A_150 = arith.addi %mul3A_148, %add3A_149 : i32
      %get3A_151 = arith.index_cast %add3A_150 : i32 to index
      %get3A_152 = tpu.vector_load %arg6[%get3A_151] {strides = array<i32>} : memref<25600xf32, #tpu.memory_space<vmem>>, vector<16xf32>,
      %get3A_153 = vector.shape_cast %get3A_152 : vector<16xf32> to vector<16xf32>
      %add3A_154 = arith.addf %add3A_144, %get3A_153 : vector<16xf32>
      %scan3A_155 = arith.constant 3 : i32
      %scan3A_156 = arith.addi %scan3A_126, %scan3A_155 : i32
      %mul3A_157 = arith.constant 128 : i32
      %mul3A_158 = arith.muli %scan3A_156, %mul3A_157 : i32
      %add3A_159 = arith.constant 112 : i32
      %add3A_160 = arith.addi %mul3A_158, %add3A_159 : i32
      %get3A_161 = arith.index_cast %add3A_160 : i32 to index
      %get3A_162 = tpu.vector_load %arg6[%get3A_161] {strides = array<i32>} : memref<25600xf32, #tpu.memory_space<vmem>>, vector<16xf32>,
      %get3A_163 = vector.shape_cast %get3A_162 : vector<16xf32> to vector<16xf32>
      %add3A_164 = arith.addf %add3A_154, %get3A_163 : vector<16xf32>
      scf.yield %add3A_164 : vector<16xf32>
    }
    %scan3A_116 = arith.constant 200 : i32
    %mul3A_117 = arith.constant 5.000000e-03 : f32
    %mul3A_118 = vector.broadcast %mul3A_117 : f32 to vector<16xf32>
    %mul3A_119 = arith.mulf %scan3A_115, %mul3A_118 : vector<16xf32>
    %swap3A_120 = arith.constant 112 : index
    %swap3A_121 = tpu.vector_load %arg7[%swap3A_120] {strides = array<i32>} : memref<128xf32, #tpu.memory_space<vmem>>, vector<16xf32>,
    %swap3A_122 = vector.shape_cast %swap3A_121 : vector<16xf32> to vector<16xf32>
    %swap3A_123 = vector.shape_cast %mul3A_119 : vector<16xf32> to vector<16xf32>
    tpu.vector_store %arg7[%swap3A_120], %swap3A_123 {strides = array<i32>} : memref<128xf32, #tpu.memory_space<vmem>>, vector<16xf32>,
    %mul3A_124 = arith.constant 128 : i32
    %mul3A_125 = arith.muli %add3A, %mul3A_124 : i32
    "tpu.region"() ({
      %run_scoped3A = tpu.sem_alloc : memref<!tpu.dma_semaphore, #tpu.memory_space<semaphore_mem>>
      %dma_start3A_126 = tpu.memref_slice %arg4[%mul3A_125] : memref<4096xf32, #tpu.memory_space<hbm>> -> memref<128xf32, #tpu.memory_space<hbm>>
      %dma_start3A_127 = tpu.memref_slice %arg4[%mul3A_125] : memref<4096xf32, #tpu.memory_space<hbm>> -> memref<128xf32, #tpu.memory_space<hbm>>
      tpu.enqueue_dma source(%arg7 : memref<128xf32, #tpu.memory_space<vmem>>) target(%dma_start3A_127 : memref<128xf32, #tpu.memory_space<hbm>>) target_semaphore(%run_scoped3A : memref<!tpu.dma_semaphore, #tpu.memory_space<semaphore_mem>>)
      %dma_wait3A_128 = tpu.memref_slice %arg4[%mul3A_125] : memref<4096xf32, #tpu.memory_space<hbm>> -> memref<128xf32, #tpu.memory_space<hbm>>
      %dma_wait3A_129 = tpu.memref_slice %arg4[%mul3A_125] : memref<4096xf32, #tpu.memory_space<hbm>> -> memref<128xf32, #tpu.memory_space<hbm>>
      tpu.wait_dma2 semaphore(%run_scoped3A : memref<!tpu.dma_semaphore, #tpu.memory_space<semaphore_mem>>) src(%arg7 : memref<128xf32, #tpu.memory_space<vmem>>) dst(%dma_wait3A_129 : memref<128xf32, #tpu.memory_space<hbm>>)
      tpu.yield
    }) : () -> ()
    return
  }
}

module attributes {stable_mosaic.version = 14 : i64} {
  func.func @_project_body(%arg0: i32, %arg1: memref<4096x32xf32, #tpu.memory_space<vmem>>, %arg2: memref<4096x32xf32, #tpu.memory_space<vmem>>, %arg3: memref<4096x32xf32, #tpu.memory_space<vmem>>, %arg4: memref<4096x32xf32, #tpu.memory_space<vmem>>, %arg5: memref<32x1xf32, #tpu.memory_space<vmem>>, %arg6: memref<1x1xf32, #tpu.memory_space<vmem>>, %arg7: memref<4x32x128xf32, #tpu.memory_space<vmem>>) attributes {dimension_semantics = [#tpu.dimension_semantics<arbitrary>], iteration_bounds = array<i64: 62>, scalar_prefetch = 0 : i64, scratch_operands = 0 : i64, tpu.core_type = #tpu.core_type<tc>, window_params = [{transform_indices = @transform_0, window_bounds = array<i64: 4096, 32>}, {transform_indices = @transform_1, window_bounds = array<i64: 4096, 32>}, {transform_indices = @transform_2, window_bounds = array<i64: 4096, 32>}, {transform_indices = @transform_3, window_bounds = array<i64: 4096, 32>}, {pipeline_mode = #tpu.pipeline_mode<synchronous>, transform_indices = @transform_4, window_bounds = array<i64: 32, 1>}, {pipeline_mode = #tpu.pipeline_mode<synchronous>, transform_indices = @transform_5, window_bounds = array<i64: 1, 1>}, {transform_indices = @transform_6, window_bounds = array<i64: 4, 32, 128>}]} {
    %get3A = arith.constant 0 : index
    %get3A_0 = arith.constant 0 : index
    %get3A_1 = vector.load %arg1[%get3A, %get3A_0] : memref<4096x32xf32, #tpu.memory_space<vmem>>, vector<4096x32xf32>
    %get3A_2 = arith.constant 0 : index
    %get3A_3 = arith.constant 0 : index
    %get3A_4 = vector.load %arg5[%get3A_2, %get3A_3] : memref<32x1xf32, #tpu.memory_space<vmem>>, vector<32x1xf32>
    %broadcast_in_dim3A = vector.shape_cast %get3A_4 : vector<32x1xf32> to vector<32x1xf32>
    %broadcast_in_dim3A_5 = vector.broadcast %broadcast_in_dim3A : vector<32x1xf32> to vector<32x128xf32>
    %dot_general3A = arith.constant dense<0.000000e+00> : vector<4096x128xf32>
    %dot_general3A_6 = tpu.matmul %get3A_1, %broadcast_in_dim3A_5, %dot_general3A {dimension_numbers = #tpu.dot_dimension_numbers<[1], [0], [0], [1], [0, 0, 1, 1], [], []>, transpose_lhs_hint = false} : vector<4096x32xf32>, vector<32x128xf32>, vector<4096x128xf32> -> vector<4096x128xf32>
    %reshape3A = vector.shape_cast %dot_general3A_6 : vector<4096x128xf32> to vector<32x128x128xf32>
    %iota3A = tpu.iota {dimensions = array<i32: 0>} : vector<128x128xi32>
    %iota3A_7 = tpu.iota {dimensions = array<i32: 1>} : vector<128x128xi32>
    %eq3A = arith.cmpi eq, %iota3A, %iota3A_7 : vector<128x128xi32>
    %broadcast_in_dim3A_8 = vector.shape_cast %eq3A : vector<128x128xi1> to vector<1x128x128xi1>
    %jit3A = arith.constant 0.000000e+00 : f32
    %broadcast_in_dim3A_9 = vector.shape_cast %broadcast_in_dim3A_8 : vector<1x128x128xi1> to vector<1x128x128xi1>
    %broadcast_in_dim3A_10 = vector.broadcast %broadcast_in_dim3A_9 : vector<1x128x128xi1> to vector<32x128x128xi1>
    %broadcast_in_dim3A_11 = vector.broadcast %jit3A : f32 to vector<32x128x128xf32>
    %select_n3A = arith.select %broadcast_in_dim3A_10, %reshape3A, %broadcast_in_dim3A_11 : vector<32x128x128xi1>, vector<32x128x128xf32>
    %reduce_sum3A = arith.constant dense<0.000000e+00> : vector<32x128xf32>
    %reduce_sum3A_12 = vector.multi_reduction <add>, %select_n3A, %reduce_sum3A [1] : vector<32x128x128xf32> to vector<32x128xf32>
    %get3A_13 = arith.constant 0 : index
    %get3A_14 = arith.constant 0 : index
    %get3A_15 = vector.load %arg6[%get3A_13, %get3A_14] : memref<1x1xf32, #tpu.memory_space<vmem>>, vector<1x1xf32>
    %get3A_16 = vector.extract %get3A_15[0, 0] : f32 from vector<1x1xf32>
    %add3A = vector.broadcast %get3A_16 : f32 to vector<32x128xf32>
    %add3A_17 = arith.addf %reduce_sum3A_12, %add3A : vector<32x128xf32>
    %swap3A = arith.constant 0 : index
    %swap3A_18 = arith.constant 0 : index
    %swap3A_19 = arith.constant 0 : index
    %swap3A_20 = vector.load %arg7[%swap3A, %swap3A_18, %swap3A_19] : memref<4x32x128xf32, #tpu.memory_space<vmem>>, vector<1x32x128xf32>
    %swap3A_21 = vector.shape_cast %swap3A_20 : vector<1x32x128xf32> to vector<32x128xf32>
    %swap3A_22 = vector.shape_cast %add3A_17 : vector<32x128xf32> to vector<1x32x128xf32>
    tpu.vector_store %arg7[%swap3A, %swap3A_18, %swap3A_19], %swap3A_22 {strides = array<i32>} : memref<4x32x128xf32, #tpu.memory_space<vmem>>, vector<1x32x128xf32>,
    %get3A_23 = arith.constant 0 : index
    %get3A_24 = arith.constant 0 : index
    %get3A_25 = vector.load %arg2[%get3A_23, %get3A_24] : memref<4096x32xf32, #tpu.memory_space<vmem>>, vector<4096x32xf32>
    %get3A_26 = arith.constant 0 : index
    %get3A_27 = arith.constant 0 : index
    %get3A_28 = vector.load %arg5[%get3A_26, %get3A_27] : memref<32x1xf32, #tpu.memory_space<vmem>>, vector<32x1xf32>
    %broadcast_in_dim3A_29 = vector.shape_cast %get3A_28 : vector<32x1xf32> to vector<32x1xf32>
    %broadcast_in_dim3A_30 = vector.broadcast %broadcast_in_dim3A_29 : vector<32x1xf32> to vector<32x128xf32>
    %dot_general3A_31 = arith.constant dense<0.000000e+00> : vector<4096x128xf32>
    %dot_general3A_32 = tpu.matmul %get3A_25, %broadcast_in_dim3A_30, %dot_general3A_31 {dimension_numbers = #tpu.dot_dimension_numbers<[1], [0], [0], [1], [0, 0, 1, 1], [], []>, transpose_lhs_hint = false} : vector<4096x32xf32>, vector<32x128xf32>, vector<4096x128xf32> -> vector<4096x128xf32>
    %reshape3A_33 = vector.shape_cast %dot_general3A_32 : vector<4096x128xf32> to vector<32x128x128xf32>
    %iota3A_34 = tpu.iota {dimensions = array<i32: 0>} : vector<128x128xi32>
    %iota3A_35 = tpu.iota {dimensions = array<i32: 1>} : vector<128x128xi32>
    %eq3A_36 = arith.cmpi eq, %iota3A_34, %iota3A_35 : vector<128x128xi32>
    %broadcast_in_dim3A_37 = vector.shape_cast %eq3A_36 : vector<128x128xi1> to vector<1x128x128xi1>
    %jit3A_38 = arith.constant 0.000000e+00 : f32
    %broadcast_in_dim3A_39 = vector.shape_cast %broadcast_in_dim3A_37 : vector<1x128x128xi1> to vector<1x128x128xi1>
    %broadcast_in_dim3A_40 = vector.broadcast %broadcast_in_dim3A_39 : vector<1x128x128xi1> to vector<32x128x128xi1>
    %broadcast_in_dim3A_41 = vector.broadcast %jit3A_38 : f32 to vector<32x128x128xf32>
    %select_n3A_42 = arith.select %broadcast_in_dim3A_40, %reshape3A_33, %broadcast_in_dim3A_41 : vector<32x128x128xi1>, vector<32x128x128xf32>
    %reduce_sum3A_43 = arith.constant dense<0.000000e+00> : vector<32x128xf32>
    %reduce_sum3A_44 = vector.multi_reduction <add>, %select_n3A_42, %reduce_sum3A_43 [1] : vector<32x128x128xf32> to vector<32x128xf32>
    %get3A_45 = arith.constant 0 : index
    %get3A_46 = arith.constant 0 : index
    %get3A_47 = vector.load %arg6[%get3A_45, %get3A_46] : memref<1x1xf32, #tpu.memory_space<vmem>>, vector<1x1xf32>
    %get3A_48 = vector.extract %get3A_47[0, 0] : f32 from vector<1x1xf32>
    %add3A_49 = vector.broadcast %get3A_48 : f32 to vector<32x128xf32>
    %add3A_50 = arith.addf %reduce_sum3A_44, %add3A_49 : vector<32x128xf32>
    %swap3A_51 = arith.constant 1 : index
    %swap3A_52 = arith.constant 0 : index
    %swap3A_53 = arith.constant 0 : index
    %swap3A_54 = vector.load %arg7[%swap3A_51, %swap3A_52, %swap3A_53] : memref<4x32x128xf32, #tpu.memory_space<vmem>>, vector<1x32x128xf32>
    %swap3A_55 = vector.shape_cast %swap3A_54 : vector<1x32x128xf32> to vector<32x128xf32>
    %swap3A_56 = vector.shape_cast %add3A_50 : vector<32x128xf32> to vector<1x32x128xf32>
    tpu.vector_store %arg7[%swap3A_51, %swap3A_52, %swap3A_53], %swap3A_56 {strides = array<i32>} : memref<4x32x128xf32, #tpu.memory_space<vmem>>, vector<1x32x128xf32>,
    %get3A_57 = arith.constant 0 : index
    %get3A_58 = arith.constant 0 : index
    %get3A_59 = vector.load %arg3[%get3A_57, %get3A_58] : memref<4096x32xf32, #tpu.memory_space<vmem>>, vector<4096x32xf32>
    %get3A_60 = arith.constant 0 : index
    %get3A_61 = arith.constant 0 : index
    %get3A_62 = vector.load %arg5[%get3A_60, %get3A_61] : memref<32x1xf32, #tpu.memory_space<vmem>>, vector<32x1xf32>
    %broadcast_in_dim3A_63 = vector.shape_cast %get3A_62 : vector<32x1xf32> to vector<32x1xf32>
    %broadcast_in_dim3A_64 = vector.broadcast %broadcast_in_dim3A_63 : vector<32x1xf32> to vector<32x128xf32>
    %dot_general3A_65 = arith.constant dense<0.000000e+00> : vector<4096x128xf32>
    %dot_general3A_66 = tpu.matmul %get3A_59, %broadcast_in_dim3A_64, %dot_general3A_65 {dimension_numbers = #tpu.dot_dimension_numbers<[1], [0], [0], [1], [0, 0, 1, 1], [], []>, transpose_lhs_hint = false} : vector<4096x32xf32>, vector<32x128xf32>, vector<4096x128xf32> -> vector<4096x128xf32>
    %reshape3A_67 = vector.shape_cast %dot_general3A_66 : vector<4096x128xf32> to vector<32x128x128xf32>
    %iota3A_68 = tpu.iota {dimensions = array<i32: 0>} : vector<128x128xi32>
    %iota3A_69 = tpu.iota {dimensions = array<i32: 1>} : vector<128x128xi32>
    %eq3A_70 = arith.cmpi eq, %iota3A_68, %iota3A_69 : vector<128x128xi32>
    %broadcast_in_dim3A_71 = vector.shape_cast %eq3A_70 : vector<128x128xi1> to vector<1x128x128xi1>
    %jit3A_72 = arith.constant 0.000000e+00 : f32
    %broadcast_in_dim3A_73 = vector.shape_cast %broadcast_in_dim3A_71 : vector<1x128x128xi1> to vector<1x128x128xi1>
    %broadcast_in_dim3A_74 = vector.broadcast %broadcast_in_dim3A_73 : vector<1x128x128xi1> to vector<32x128x128xi1>
    %broadcast_in_dim3A_75 = vector.broadcast %jit3A_72 : f32 to vector<32x128x128xf32>
    %select_n3A_76 = arith.select %broadcast_in_dim3A_74, %reshape3A_67, %broadcast_in_dim3A_75 : vector<32x128x128xi1>, vector<32x128x128xf32>
    %reduce_sum3A_77 = arith.constant dense<0.000000e+00> : vector<32x128xf32>
    %reduce_sum3A_78 = vector.multi_reduction <add>, %select_n3A_76, %reduce_sum3A_77 [1] : vector<32x128x128xf32> to vector<32x128xf32>
    %get3A_79 = arith.constant 0 : index
    %get3A_80 = arith.constant 0 : index
    %get3A_81 = vector.load %arg6[%get3A_79, %get3A_80] : memref<1x1xf32, #tpu.memory_space<vmem>>, vector<1x1xf32>
    %get3A_82 = vector.extract %get3A_81[0, 0] : f32 from vector<1x1xf32>
    %add3A_83 = vector.broadcast %get3A_82 : f32 to vector<32x128xf32>
    %add3A_84 = arith.addf %reduce_sum3A_78, %add3A_83 : vector<32x128xf32>
    %swap3A_85 = arith.constant 2 : index
    %swap3A_86 = arith.constant 0 : index
    %swap3A_87 = arith.constant 0 : index
    %swap3A_88 = vector.load %arg7[%swap3A_85, %swap3A_86, %swap3A_87] : memref<4x32x128xf32, #tpu.memory_space<vmem>>, vector<1x32x128xf32>
    %swap3A_89 = vector.shape_cast %swap3A_88 : vector<1x32x128xf32> to vector<32x128xf32>
    %swap3A_90 = vector.shape_cast %add3A_84 : vector<32x128xf32> to vector<1x32x128xf32>
    tpu.vector_store %arg7[%swap3A_85, %swap3A_86, %swap3A_87], %swap3A_90 {strides = array<i32>} : memref<4x32x128xf32, #tpu.memory_space<vmem>>, vector<1x32x128xf32>,
    %get3A_91 = arith.constant 0 : index
    %get3A_92 = arith.constant 0 : index
    %get3A_93 = vector.load %arg4[%get3A_91, %get3A_92] : memref<4096x32xf32, #tpu.memory_space<vmem>>, vector<4096x32xf32>
    %get3A_94 = arith.constant 0 : index
    %get3A_95 = arith.constant 0 : index
    %get3A_96 = vector.load %arg5[%get3A_94, %get3A_95] : memref<32x1xf32, #tpu.memory_space<vmem>>, vector<32x1xf32>
    %broadcast_in_dim3A_97 = vector.shape_cast %get3A_96 : vector<32x1xf32> to vector<32x1xf32>
    %broadcast_in_dim3A_98 = vector.broadcast %broadcast_in_dim3A_97 : vector<32x1xf32> to vector<32x128xf32>
    %dot_general3A_99 = arith.constant dense<0.000000e+00> : vector<4096x128xf32>
    %dot_general3A_100 = tpu.matmul %get3A_93, %broadcast_in_dim3A_98, %dot_general3A_99 {dimension_numbers = #tpu.dot_dimension_numbers<[1], [0], [0], [1], [0, 0, 1, 1], [], []>, transpose_lhs_hint = false} : vector<4096x32xf32>, vector<32x128xf32>, vector<4096x128xf32> -> vector<4096x128xf32>
    %reshape3A_101 = vector.shape_cast %dot_general3A_100 : vector<4096x128xf32> to vector<32x128x128xf32>
    %iota3A_102 = tpu.iota {dimensions = array<i32: 0>} : vector<128x128xi32>
    %iota3A_103 = tpu.iota {dimensions = array<i32: 1>} : vector<128x128xi32>
    %eq3A_104 = arith.cmpi eq, %iota3A_102, %iota3A_103 : vector<128x128xi32>
    %broadcast_in_dim3A_105 = vector.shape_cast %eq3A_104 : vector<128x128xi1> to vector<1x128x128xi1>
    %jit3A_106 = arith.constant 0.000000e+00 : f32
    %broadcast_in_dim3A_107 = vector.shape_cast %broadcast_in_dim3A_105 : vector<1x128x128xi1> to vector<1x128x128xi1>
    %broadcast_in_dim3A_108 = vector.broadcast %broadcast_in_dim3A_107 : vector<1x128x128xi1> to vector<32x128x128xi1>
    %broadcast_in_dim3A_109 = vector.broadcast %jit3A_106 : f32 to vector<32x128x128xf32>
    %select_n3A_110 = arith.select %broadcast_in_dim3A_108, %reshape3A_101, %broadcast_in_dim3A_109 : vector<32x128x128xi1>, vector<32x128x128xf32>
    %reduce_sum3A_111 = arith.constant dense<0.000000e+00> : vector<32x128xf32>
    %reduce_sum3A_112 = vector.multi_reduction <add>, %select_n3A_110, %reduce_sum3A_111 [1] : vector<32x128x128xf32> to vector<32x128xf32>
    %get3A_113 = arith.constant 0 : index
    %get3A_114 = arith.constant 0 : index
    %get3A_115 = vector.load %arg6[%get3A_113, %get3A_114] : memref<1x1xf32, #tpu.memory_space<vmem>>, vector<1x1xf32>
    %get3A_116 = vector.extract %get3A_115[0, 0] : f32 from vector<1x1xf32>
    %add3A_117 = vector.broadcast %get3A_116 : f32 to vector<32x128xf32>
    %add3A_118 = arith.addf %reduce_sum3A_112, %add3A_117 : vector<32x128xf32>
    %swap3A_119 = arith.constant 3 : index
    %swap3A_120 = arith.constant 0 : index
    %swap3A_121 = arith.constant 0 : index
    %swap3A_122 = vector.load %arg7[%swap3A_119, %swap3A_120, %swap3A_121] : memref<4x32x128xf32, #tpu.memory_space<vmem>>, vector<1x32x128xf32>
    %swap3A_123 = vector.shape_cast %swap3A_122 : vector<1x32x128xf32> to vector<32x128xf32>
    %swap3A_124 = vector.shape_cast %add3A_118 : vector<32x128xf32> to vector<1x32x128xf32>
    tpu.vector_store %arg7[%swap3A_119, %swap3A_120, %swap3A_121], %swap3A_124 {strides = array<i32>} : memref<4x32x128xf32, #tpu.memory_space<vmem>>, vector<1x32x128xf32>,
    return
  }
  func.func @transform_0(%arg0: i32) -> (i32, i32) {
    %add3A = arith.constant 0 : i32
    %add3A_0 = arith.addi %arg0, %add3A : i32
    %c0_i32 = arith.constant 0 : i32
    %c0_i32_1 = arith.constant 0 : i32
    return %add3A_0, %c0_i32 : i32, i32
  }
  func.func @transform_1(%arg0: i32) -> (i32, i32) {
    %add3A = arith.constant 61 : i32
    %add3A_0 = arith.addi %arg0, %add3A : i32
    %c0_i32 = arith.constant 0 : i32
    %c0_i32_1 = arith.constant 0 : i32
    return %add3A_0, %c0_i32 : i32, i32
  }
  func.func @transform_2(%arg0: i32) -> (i32, i32) {
    %add3A = arith.constant 122 : i32
    %add3A_0 = arith.addi %arg0, %add3A : i32
    %c0_i32 = arith.constant 0 : i32
    %c0_i32_1 = arith.constant 0 : i32
    return %add3A_0, %c0_i32 : i32, i32
  }
  func.func @transform_3(%arg0: i32) -> (i32, i32) {
    %add3A = arith.constant 183 : i32
    %add3A_0 = arith.addi %arg0, %add3A : i32
    %c0_i32 = arith.constant 0 : i32
    %c0_i32_1 = arith.constant 0 : i32
    return %add3A_0, %c0_i32 : i32, i32
  }
  func.func @transform_4(%arg0: i32) -> (i32, i32) {
    %c0_i32 = arith.constant 0 : i32
    %c0_i32_0 = arith.constant 0 : i32
    %c0_i32_1 = arith.constant 0 : i32
    return %c0_i32, %c0_i32_0 : i32, i32
  }
  func.func @transform_5(%arg0: i32) -> (i32, i32) {
    %c0_i32 = arith.constant 0 : i32
    %c0_i32_0 = arith.constant 0 : i32
    %c0_i32_1 = arith.constant 0 : i32
    return %c0_i32, %c0_i32_0 : i32, i32
  }
  func.func @transform_6(%arg0: i32) -> (i32, i32, i32) {
    %c0_i32 = arith.constant 0 : i32
    %c0_i32_0 = arith.constant 0 : i32
    %c0_i32_1 = arith.constant 0 : i32
    return %c0_i32, %arg0, %c0_i32_0 : i32, i32, i32
  }
}

</mosaic_0001>

<sc_bundles>
// kernel: kernel.4.cloned.1.call-start
scs
__scs_entry_jumppad:
0x0: {  	(pc) =	sbr.rel $0x88, $3  }
0x1: {  	(tag) =	ssettag $0x0;
	lr =	simm.s32 $0x1  }
0x2: {  	[smem:$0x3F9D] =	sst lr;
	_ =	strace $0xD0000000  }
0x3: {  	_ = 	snop  }
0x4: {  	_ = 	snop  }
0x5: {  	_ = 	snop  }
0x6: {  	_ = 	snop  }
0x7: {  	_ = 	snop  }
__scs_overlays_trampoline_lowered:
0x8: {  	[smem:$0x3FAC] =	sst s0  }
0x9: {  	[smem:$0x3FAD] =	sst s1  }
0xa: {  	[smem:$0x3FAE] =	sst s2  }
0xb: {  	[smem:$0x3FAF] =	sst s3  }
0xc: {  	[smem:$0x3FB0] =	sst s4  }
0xd: {  	[smem:$0x3FB1] =	sst s5  }
0xe: {  	[smem:$0x3FB2] =	sst s6  }
0xf: {  	[smem:$0x3FB3] =	sst s7  }
0x10: {  	[smem:$0x3FB4] =	sst s8  }
0x11: {  	[smem:$0x3FB5] =	sst s9;
	s0 =	simm.s32 @!p0 $0x0  }
0x12: {  	s1 =	sld [smem:$0x3F9B];
	s0 =	simm.s32 @p0 $0x1  }
0x13: {  	[smem:$0x3FB6] =	sst s0;
	s0 =	simm.s32 @!p1 $0x0  }
0x14: {  	s2 =	sld [smem:$0x3F9A];
	s0 =	simm.s32 @p1 $0x1  }
0x15: {  	[smem:$0x3FB7] =	sst s0;
	s0 =	simm.s32 @!p2 $0x0  }
0x16: {  	s3 =	sld [smem:$0x3FDB];
	s0 =	simm.s32 @p2 $0x1  }
0x17: {  	s4 =	simm.s32 $0x1BF5;
	[smem:$0x3FB9] =	sst s0  }
0x18: {  	s0 =	sld [smem:$0x3F9C];
	_ =	swait.ge [sflag:s4], $0x0  }
0x19: {  	s7 =	sld [smem:$0x3F9D]  }
0x1a: {  	s8 =	sadd.s32 $0xFFFFE003, lr  }
0x1b: {  	s9 =	sadd.s32 $0xFFFFFEF7, lr;
	s5 =	simm.s32 $0xFFFFFFFF;
	p2 =	slt.u32 s8, $0xFFFFF086  }
0x1c: {  	p1 =	slt.u32 s9, $0xF7A;
	s5 =	simm.s32 @!p2 $0x0  }
0x1d: {  	s5 =	simm.s32 @p1 $0x1;
	p0 =	seq.s32 s7, s2  }
0x1e: {  	s7 =	smul.u32 @!p0 $0xF7A, s2;
	p2 =	seq.s32 @!p0 s5, $0x0  }
0x1f: {  	s9 =	smul.u32 $0xF7A, s1;
	s8 =	simm.s32 @!p0 $0x1BF5;
	p2 =	por !p2, p0  }
0x20: {  	[sflag:s8] =	ssyncset.s32 @!p0 $0xFFFFF086;
	s6 =	sadd.s32 @!p0 s3, s7;
	s7 =	simm.s32 @!p0 $0x108  }
0x21: {  	s3 =	sadd.s32 s3, s9;
	s6 =	sadd.s32 @!p0 $0x88, s6;
	s7 =	simm.s32 @p2 $0x1082  }
0x22: {  	[simem:s7], [sflag:s8] =	dma.local @!p0 [hbm:s6], $0xF7A  }
0x23: {  	s9 =	sor.u32 $0xD0000000, s2;
	s6 =	simm.s32 $0x108;
	_ =	swait.ge @!p0 [sflag:s8], $0x0  }
0x24: {  	s3 =	sadd.s32 $0x88, s3;
	s6 =	simm.s32 @!p1 $0x1082;
	[sflag:s4] =	ssyncset.s32 $0xFFFFF086  }
0x25: {  	[simem:s6], [sflag:s4] =	dma.local [hbm:s3], $0xF7A  }
0x26: {  	[smem:$0x3F9D] =	sst s1;
	(tag) =	ssettag s2;
	_ =	strace s9  }
0x27: {  	s1 =	sld [smem:$0x3FAD]  }
0x28: {  	s2 =	sld [smem:$0x3FAE]  }
0x29: {  	s4 =	sld [smem:$0x3FB0]  }
0x2a: {  	p0 =	seq.s32 s5, $0x0;
	s5 =	sld [smem:$0x3FB1]  }
0x2b: {  	s6 =	sld [smem:$0x3FB2]  }
0x2c: {  	s7 =	sld [smem:$0x3FB3]  }
0x2d: {  	s3 =	simm.s32 $0x108;
	s8 =	sld [smem:$0x3FB4]  }
0x2e: {  	s3 =	simm.s32 @!p0 $0x1082;
	s9 =	sld [smem:$0x3FB5]  }
0x2f: {  	lr =	sadd.s32 s0, s3;
	s0 =	sld [smem:$0x3FAC]  }
0x30: {  	s3 =	sld [smem:$0x3FAF]  }
0x31: {  	[smem:$0x3FB8] =	sst s10  }
0x32: {  	s10 =	sld [smem:$0x3FB6];
	_ =	sdelay $0x3  }
0x33: {  	p0 =	seq.s32 s10, $0x1;
	s10 =	sld [smem:$0x3FB8];
	_ =	sdelay $0x3  }
0x34: {  	[smem:$0x3FB8] =	sst s10  }
0x35: {  	s10 =	sld [smem:$0x3FB7];
	_ =	sdelay $0x3  }
0x36: {  	p1 =	seq.s32 s10, $0x1;
	s10 =	sld [smem:$0x3FB8];
	_ =	sdelay $0x3  }
0x37: {  	[smem:$0x3FB8] =	sst s10  }
0x38: {  	s10 =	sld [smem:$0x3FB9]  }
0x39: {  	_ = 	snop;
	(pc) =	sbr.ind lr, $3  }
0x3a: {  	_ = 	snop  }
0x3b: {  	_ = 	snop  }
0x3c: {  	p2 =	seq.s32 s10, $0x1;
	s10 =	sld [smem:$0x3FB8]  }
0x3d: {  	_ =	shalt  }
0x3e: {  	_ =	shalt  }
0x3f: {  	_ =	shalt  }
0x40: {  	_ =	shalt  }
0x41: {  	_ =	shalt  }
0x42: {  	_ =	shalt  }
0x43: {  	_ =	shalt  }
0x44: {  	_ =	shalt  }
0x45: {  	_ =	shalt  }
0x46: {  	_ =	shalt  }
0x47: {  	_ =	shalt  }
0x48: {  	_ =	shalt  }
0x49: {  	_ =	shalt  }
0x4a: {  	_ =	shalt  }
0x4b: {  	_ =	shalt  }
0x4c: {  	_ =	shalt  }
0x4d: {  	_ =	shalt  }
0x4e: {  	_ =	shalt  }
0x4f: {  	_ =	shalt  }
0x50: {  	_ =	shalt  }
0x51: {  	_ =	shalt  }
0x52: {  	_ =	shalt  }
0x53: {  	_ =	shalt  }
0x54: {  	_ =	shalt  }
0x55: {  	_ =	shalt  }
0x56: {  	_ =	shalt  }
0x57: {  	_ =	shalt  }
0x58: {  	_ =	shalt  }
0x59: {  	_ =	shalt  }
0x5a: {  	_ =	shalt  }
0x5b: {  	_ =	shalt  }
0x5c: {  	_ =	shalt  }
0x5d: {  	_ =	shalt  }
0x5e: {  	_ =	shalt  }
0x5f: {  	_ =	shalt  }
0x60: {  	_ =	shalt  }
0x61: {  	_ =	shalt  }
0x62: {  	_ =	shalt  }
0x63: {  	_ =	shalt  }
0x64: {  	_ =	shalt  }
0x65: {  	_ =	shalt  }
0x66: {  	_ =	shalt  }
0x67: {  	_ =	shalt  }
0x68: {  	_ =	shalt  }
0x69: {  	_ =	shalt  }
0x6a: {  	_ =	shalt  }
0x6b: {  	_ =	shalt  }
0x6c: {  	_ =	shalt  }
0x6d: {  	_ =	shalt  }
0x6e: {  	_ =	shalt  }
0x6f: {  	_ =	shalt  }
0x70: {  	_ =	shalt  }
0x71: {  	_ =	shalt  }
0x72: {  	_ =	shalt  }
0x73: {  	_ =	shalt  }
0x74: {  	_ =	shalt  }
0x75: {  	_ =	shalt  }
0x76: {  	_ =	shalt  }
0x77: {  	_ =	shalt  }
0x78: {  	_ =	shalt  }
0x79: {  	_ =	shalt  }
0x7a: {  	_ =	shalt  }
0x7b: {  	_ =	shalt  }
0x7c: {  	_ =	shalt  }
0x7d: {  	_ =	shalt  }
0x7e: {  	_ =	shalt  }
0x7f: {  	_ =	shalt  }
0x80: {  	_ =	shalt  }
0x81: {  	_ =	shalt  }
0x82: {  	_ =	shalt  }
0x83: {  	_ =	shalt  }
0x84: {  	_ =	shalt  }
0x85: {  	_ =	shalt  }
0x86: {  	_ =	shalt  }
0x87: {  	_ =	shalt  }
.Lfunc_end0:
.L_simem_size_0:
called_computation_lowered:
.L_overlay_start_0:
0x88: {  	s2 =	sld [smem:$0x3FD9]  }
0x89: {  	s3 =	sld [smem:$0x3FFE];
	_ =	sdelay $0x1  }
0x8a: {  	s1 =	srdreg.scid  }
0x8b: {  	s0 =	sand.u32 $0x1, s1  }
0x8c: {  	s17 =	sshll.u32 s0, $0xA;
	s2 =	sadd.s32 s3, s2  }
0x8d: {  	s2 =	sadd.s32 s2, s17  }
0x8e: {  	[smem:$0x3FC4] =	sst s2  }
0x8f: {  	_ = 	snop  }
0x90: {  	s2 =	sld [smem:$0x3FD0];
	(tm) =	ssettm $0x1  }
0x91: {  	s18 =	sld [smem:$0x3FFB];
	_ =	sdelay $0x3  }
0x92: {  	_ =	strace s18  }
0x93: {  	s3 =	sld [smem:$0x3FFC];
	_ =	sdelay $0x3  }
0x94: {  	_ =	strace s3  }
0x95: {  	s3 =	sld [smem:$0x3FFD];
	_ =	sdelay $0x3  }
0x96: {  	_ =	strace s3  }
0x97: {  	_ =	strace $0x8FFFFFFF  }
0x98: {  	s19 =	sld [smem:$0x3FDB];
	_ =	sdelay $0x1  }
0x99: {  	s4 =	simm.s32 $_scs_section_size  }
0x9a: {  	s5 =	simm.s32 $_size__tile_overlayer_lowered;
	s6 =	simm.s32 $_tile_overlayer_lowered  }
0x9b: {  	s22 =	simm.s32 $0x1BFF;
	s21 =	sshll.u32 s6, $0x1;
	s3 =	sadd.s32 s4, s19  }
0x9c: {  	s7 =	simm.s32 $0x0;
	s20 =	sshll.u32 s5, $0x1;
	s5 =	sadd.s32 s21, s3  }
0x9d: {  	[timem:s7], [sflag:s22] =	dma.local [hbm:s5], s20  }
0x9e: {  	_ =	swait.ge [sflag:s22], s20  }
0x9f: {  	s4 =	ssub.s32 $0x0, s20;
	[sflag:s22] =	ssyncset.done $0x0  }
0xa0: {  	[sflag:s22] =	ssyncadd.s32 s4;
	_ =	sdelay $0x1  }
0xa1: {  	s23 =	simm.s32 $0x1B8B  }
0xa2: {  	_ =	swait.ge [sflag:s23], $0x1  }
0xa3: {  	[sflag:s23] =	ssyncset.done $0x0  }
0xa4: {  	s25 =	simm.s32 $0x1B8E;
	s24 =	sld [smem:$0x3FFE];
	[sflag:s23] =	ssyncadd.s32 $0xFFFFFFFF  }
0xa5: {  	s26 =	simm.s32 $execute0_lowered;
	[smem:$0x3FD2] =	sst s25  }
0xa6: {  	s5 =	sshll.u32 s26, $0x1;
	_ =	strace $0x80000046;
	[dreg:$0x1] =	wrdreg $0xFFFFFFFF  }
0xa7: {  	s28 =	simm.s32 $_size_execute0_lowered;
	s3 =	sadd.s32 s3, s5;
	[dreg:$0x0] =	wrdreg $0x0  }
0xa8: {  	s5 =	sshll.u32 s28, $0x1;
	[dreg:$0x2] =	wrdreg s3  }
0xa9: {  	[dreg:$0x3] =	wrdreg s5  }
0xaa: {  	[dreg:$0x4] =	wrdreg $0xC0  }
0xab: {  	_ =	task [dreg:s7], $0x5FFFF  }
0xac: {  	[dreg:$0x1] =	wrdreg $0xFFFFFFFF  }
0xad: {  	[dreg:$0x0] =	wrdreg $0x60  }
0xae: {  	[dreg:$0x2] =	wrdreg s24  }
0xaf: {  	[dreg:$0x3] =	wrdreg s2  }
0xb0: {  	[dreg:$0x4] =	wrdreg $0xC8800  }
0xb1: {  	[dreg:$0x5] =	wrdreg $0x9  }
0xb2: {  	_ =	task.clear_ibuf [dreg:s7], $0x6FFFF;
	_ =	strace $0x90000046  }
0xb3: {  	s29 =	simm.s32 $0x9;
	_ =	strace $0x80000048  }
0xb4: {  	_ =	swait.ge [sflag:s29], $0x1  }
0xb5: {  	[sflag:s29] =	ssyncadd.s32 $0xFFFFFFFF  }
0xb6: {  	_ =	strace $0x90000048  }
0xb7: {  	_ =	sfence  }
0xb8: {  	s30 =	sld [smem:$0x0];
	_ =	sdelay $0x2  }
0xb9: {  	s31 =	sshll.u32 s1, $0xD;
	s1 =	sshrl.u32 s1, $0x2  }
0xba: {  	s3 =	sand.u32 $0x4000, s31;
	s1 =	sadd.s32 s1, s30  }
0xbb: {  	s0 =	sor.u32 s3, s0;
	s1 =	sshll.u32 s1, $0x11  }
0xbc: {  	s0 =	sor.u32 s1, s0  }
0xbd: {  	s0 =	sadd.s32 $0x8F2B, s0  }
0xbe: {  	[sflag:s0] =	ssyncadd.remote.s32 $0x1  }
0xbf: {  	_ =	sfence.sel $0xFFFF  }
0xc0: {  	[dreg:$0x0] =	wrdreg $0xFFFFFFFF;
	(pc) =	sbr.abs _section_cstart, $3  }
0xc1: {  	[dreg:$0x1] =	wrdreg $0xFFFFFFFF  }
0xc2: {  	_ =	task.clear_ibuf [dreg:s7], $0x2FFFF;
	_ =	strace $0x9FFFFFFF  }
0xc3: {  	(tm) =	ssettm $0x7FFFFFFF  }
tec
execute0_lowered:
.L_overlay_start_1:
0x0: {  	(tag) =	ssettag $0x1  }
0x1: {  	s4 =	rddreg [dreg:$0x0]  }
0x2: {  	s7 =	rddreg [dreg:$0x1]  }
0x3: {  	s2 =	rddreg [dreg:$0x2]  }
0x4: {  	s0 =	rddreg [dreg:$0x3];
	s1 =	stileid.u32  }
0x5: {  	s5 =	srdreg.scid;
	s3 =	simm.s32 $0x0;
	s13 =	simm.s32 $0x6400  }
0x6: {  	s14 =	simm.s32 $0x1;
	s15 =	simm.s32 $0xC800;
	s16 =	simm.s32 $0x0  }
0x7: {  	s5 =	sand.u32 $0x1, s5;
	s6 =	sshll.u32 s1, $0x1;
	s8 =	smul.u32 $0xF800, s1  }
0x8: {  	s9 =	sshrl.u32 s1, $0x2;
	[smem:$0x7FF] =	sst s3;
	s30 =	sshll.u32 s1, $0x6  }
0x9: {  	s6 =	sor.u32 s5, s6;
	s9 =	smul.u32 $0x32000, s9;
	_ =	strace $0x80000047  }
0xa: {  	s5 =	ssub.s32 $0x2, s5;
	s10 =	sshll.u32 s6, $0x7;
	s11 =	sshrl.u32 s8, $0x3  }
0xb: {  	s29 =	sshrl.u32 s5, $0x1;
	s12 =	sadd.s32 s8, s2;
	s31 =	sshll.u32 s6, $0x4  }
0xc: {  	s10 =	sand.u32 $0x380, s10;
	s28 =	sadd.s32 s11, s4;
	s11 =	ssub.s32 s5, s29  }
0xd: {  	s5 =	sor.u32 $0x1C02, s30;
	s7 =	sadd.s32 s7, s31;
	s9 =	sor.u32 s9, s10  }
0xe: {  	s8 =	smax.u32 s11, $0x1;
	s10 =	simm.s32 $0x2;
	s9 =	sshrl.u32 s9, $0x3  }
0xf: {  	s11 =	simm.s32 $0x80;
	s9 =	sadd.s32 s9, s4;
	s4 =	sadd.s32 $0xA00, s28  }
0x10: {  	s6 =	sadd.s32 $0xF42E00, s9;
	s9 =	sshrl.u32 s12, $0x3;
	s12 =	simm.s32 $0x400  }
.LBB2_1:
0x11: {  	[spmem:s9], [sflag:s5] =	dma.local [hbm:s4], $0x1F00  }
0x12: {  	_ =	swait.ge [sflag:s10], $0x1F00  }
0x13: {  	[sflag:s10] =	ssyncset.done $0x0  }
0x14: {  	[sflag:s10] =	ssyncadd.s32 $0xFFFFE100  }
0x15: {  	[tilespmem:s3], [sflag:$0x2] =	stream.strided.gather [hbm4b:s6+s11], $0x6400, s12, s11, $0x38;
	[tilespmem:$0x1C080] =	vst v63  }
0x16: {  	_ =	swait.ge [sflag:s10], $0x6400  }
0x17: {  	[sflag:s10] =	ssyncset.done $0x0  }
0x18: {  	[sflag:s10] =	ssyncadd.s32 $0xFFFF9C00  }
0x19: {  	[bflag:$0x0] =	sbarrier.arrive $0xFFFF  }
0x1a: {  	[tilespmem:s13], [sflag:$0x1] =	stream.indirect.gather [spmem:s2], $0x1, s3, s13, $0xb8;
	[tilespmem:$0x1C080] =	vst v63  }
0x1b: {  	_ =	swait.ge [sflag:s14], $0x6400  }
0x1c: {  	[sflag:s14] =	ssyncset.done $0x0  }
0x1d: {  	s18 =	simm.s32 $0x6500;
	[sflag:s14] =	ssyncadd.s32 $0xFFFF9C00  }
0x1e: {  	v0 =	vld [tilespmem:s18+$0xFFFFFF00];
	_ =	sdelay $0x2  }
0x1f: {  	v2 =	vld [tilespmem:s18+$0xFFFFFF80]  }
0x20: {  	v1 =	vimm.f32 $0.0e+00  }
0x21: {  	v3 =	vadd.f32 v0, v1;
	v0 =	vld [tilespmem:s18+$0x0];
	_ =	sdelay $0x1  }
0x22: {  	v1 =	vld [tilespmem:s18+$0x80]  }
0x23: {  	s17 =	simm.s32 $0x0;
	s18 =	simm.s32 $0x6700;
	v2 =	vadd.f32 v2, v3  }
.LBB2_2:
0x24: {  	v3 =	vld [tilespmem:s18+$0xFFFFFF00];
	s17 =	sadd.s32 $0x4, s17  }
0x25: {  	p0 =	slt.u32 s17, $0xC4;
	v0 =	vadd.f32 v0, v2  }
0x26: {  	v2 =	vld [tilespmem:s18+$0xFFFFFF80]  }
.Ltmp0:
0x27: {  	v1 =	vadd.f32 v1, v0;
	(pc) =	sbr.rel @p0 .LBB2_2-.Ltmp0, $4  }
0x28: {  	v0 =	vld [tilespmem:s18+$0x0]  }
0x29: {  	v3 =	vadd.f32 v3, v1  }
0x2a: {  	v1 =	vld [tilespmem:s18+$0x80]  }
0x2b: {  	s18 =	sadd.s32 $0x200, s18;
	v2 =	vadd.f32 v2, v3  }
0x2c: {  	_ = 	snop  }
0x2d: {  	v0 =	vadd.f32 v0, v2;
	_ =	sdelay $0x1  }
0x2e: {  	v0 =	vadd.f32 v1, v0;
	_ =	sdelay $0x1  }
0x2f: {  	v0 =	vmul.f32 $4.999999890e-03, v0;
	_ =	sdelay $0x1  }
0x30: {  	s18 =	simm.s32 $0x6510;
	[tilespmem:$0xC800] =	vst v0  }
0x31: {  	v0 =	vld [tilespmem:s18+$0xFFFFFF00];
	_ =	sdelay $0x2  }
0x32: {  	v2 =	vld [tilespmem:s18+$0xFFFFFF80]  }
0x33: {  	v1 =	vimm.f32 $0.0e+00  }
0x34: {  	v3 =	vadd.f32 v0, v1;
	v0 =	vld [tilespmem:s18+$0x0];
	_ =	sdelay $0x1  }
0x35: {  	v1 =	vld [tilespmem:s18+$0x80]  }
0x36: {  	s17 =	simm.s32 $0x0;
	s18 =	simm.s32 $0x6710;
	v2 =	vadd.f32 v2, v3  }
.LBB2_4:
0x37: {  	v3 =	vld [tilespmem:s18+$0xFFFFFF00];
	s17 =	sadd.s32 $0x4, s17  }
0x38: {  	p0 =	slt.u32 s17, $0xC4;
	v0 =	vadd.f32 v0, v2  }
0x39: {  	v2 =	vld [tilespmem:s18+$0xFFFFFF80]  }
.Ltmp1:
0x3a: {  	v1 =	vadd.f32 v1, v0;
	(pc) =	sbr.rel @p0 .LBB2_4-.Ltmp1, $4  }
0x3b: {  	v0 =	vld [tilespmem:s18+$0x0]  }
0x3c: {  	v3 =	vadd.f32 v3, v1  }
0x3d: {  	v1 =	vld [tilespmem:s18+$0x80]  }
0x3e: {  	s18 =	sadd.s32 $0x200, s18;
	v2 =	vadd.f32 v2, v3  }
0x3f: {  	_ = 	snop  }
0x40: {  	v0 =	vadd.f32 v0, v2;
	_ =	sdelay $0x1  }
0x41: {  	v0 =	vadd.f32 v1, v0;
	_ =	sdelay $0x1  }
0x42: {  	v0 =	vmul.f32 $4.999999890e-03, v0;
	_ =	sdelay $0x1  }
0x43: {  	s18 =	simm.s32 $0x6520;
	[tilespmem:$0xC810] =	vst v0  }
0x44: {  	v0 =	vld [tilespmem:s18+$0xFFFFFF00];
	_ =	sdelay $0x2  }
0x45: {  	v2 =	vld [tilespmem:s18+$0xFFFFFF80]  }
0x46: {  	v1 =	vimm.f32 $0.0e+00  }
0x47: {  	v3 =	vadd.f32 v0, v1;
	v0 =	vld [tilespmem:s18+$0x0];
	_ =	sdelay $0x1  }
0x48: {  	v1 =	vld [tilespmem:s18+$0x80]  }
0x49: {  	s17 =	simm.s32 $0x0;
	s18 =	simm.s32 $0x6720;
	v2 =	vadd.f32 v2, v3  }
.LBB2_6:
0x4a: {  	v3 =	vld [tilespmem:s18+$0xFFFFFF00];
	s17 =	sadd.s32 $0x4, s17  }
0x4b: {  	p0 =	slt.u32 s17, $0xC4;
	v0 =	vadd.f32 v0, v2  }
0x4c: {  	v2 =	vld [tilespmem:s18+$0xFFFFFF80]  }
.Ltmp2:
0x4d: {  	v1 =	vadd.f32 v1, v0;
	(pc) =	sbr.rel @p0 .LBB2_6-.Ltmp2, $4  }
0x4e: {  	v0 =	vld [tilespmem:s18+$0x0]  }
0x4f: {  	v3 =	vadd.f32 v3, v1  }
0x50: {  	v1 =	vld [tilespmem:s18+$0x80]  }
0x51: {  	s18 =	sadd.s32 $0x200, s18;
	v2 =	vadd.f32 v2, v3  }
0x52: {  	_ = 	snop  }
0x53: {  	v0 =	vadd.f32 v0, v2;
	_ =	sdelay $0x1  }
0x54: {  	v0 =	vadd.f32 v1, v0;
	_ =	sdelay $0x1  }
0x55: {  	v0 =	vmul.f32 $4.999999890e-03, v0;
	_ =	sdelay $0x1  }
0x56: {  	s18 =	simm.s32 $0x6530;
	[tilespmem:$0xC820] =	vst v0  }
0x57: {  	v0 =	vld [tilespmem:s18+$0xFFFFFF00];
	_ =	sdelay $0x2  }
0x58: {  	v2 =	vld [tilespmem:s18+$0xFFFFFF80]  }
0x59: {  	v1 =	vimm.f32 $0.0e+00  }
0x5a: {  	v3 =	vadd.f32 v0, v1;
	v0 =	vld [tilespmem:s18+$0x0];
	_ =	sdelay $0x1  }
0x5b: {  	v1 =	vld [tilespmem:s18+$0x80]  }
0x5c: {  	s17 =	simm.s32 $0x0;
	s18 =	simm.s32 $0x6730;
	v2 =	vadd.f32 v2, v3  }
.LBB2_8:
0x5d: {  	v3 =	vld [tilespmem:s18+$0xFFFFFF00];
	s17 =	sadd.s32 $0x4, s17  }
0x5e: {  	p0 =	slt.u32 s17, $0xC4;
	v0 =	vadd.f32 v0, v2  }
0x5f: {  	v2 =	vld [tilespmem:s18+$0xFFFFFF80]  }
.Ltmp3:
0x60: {  	v1 =	vadd.f32 v1, v0;
	(pc) =	sbr.rel @p0 .LBB2_8-.Ltmp3, $4  }
0x61: {  	v0 =	vld [tilespmem:s18+$0x0]  }
0x62: {  	v3 =	vadd.f32 v3, v1  }
0x63: {  	v1 =	vld [tilespmem:s18+$0x80]  }
0x64: {  	s18 =	sadd.s32 $0x200, s18;
	v2 =	vadd.f32 v2, v3  }
0x65: {  	_ = 	snop  }
0x66: {  	v0 =	vadd.f32 v0, v2;
	_ =	sdelay $0x1  }
0x67: {  	v0 =	vadd.f32 v1, v0;
	_ =	sdelay $0x1  }
0x68: {  	v0 =	vmul.f32 $4.999999890e-03, v0;
	_ =	sdelay $0x1  }
0x69: {  	s18 =	simm.s32 $0x6540;
	[tilespmem:$0xC830] =	vst v0  }
0x6a: {  	v0 =	vld [tilespmem:s18+$0xFFFFFF00];
	_ =	sdelay $0x2  }
0x6b: {  	v2 =	vld [tilespmem:s18+$0xFFFFFF80]  }
0x6c: {  	v1 =	vimm.f32 $0.0e+00  }
0x6d: {  	v3 =	vadd.f32 v0, v1;
	v0 =	vld [tilespmem:s18+$0x0];
	_ =	sdelay $0x1  }
0x6e: {  	v1 =	vld [tilespmem:s18+$0x80]  }
0x6f: {  	s17 =	simm.s32 $0x0;
	s18 =	simm.s32 $0x6740;
	v2 =	vadd.f32 v2, v3  }
.LBB2_10:
0x70: {  	v3 =	vld [tilespmem:s18+$0xFFFFFF00];
	s17 =	sadd.s32 $0x4, s17  }
0x71: {  	p0 =	slt.u32 s17, $0xC4;
	v0 =	vadd.f32 v0, v2  }
0x72: {  	v2 =	vld [tilespmem:s18+$0xFFFFFF80]  }
.Ltmp4:
0x73: {  	v1 =	vadd.f32 v1, v0;
	(pc) =	sbr.rel @p0 .LBB2_10-.Ltmp4, $4  }
0x74: {  	v0 =	vld [tilespmem:s18+$0x0]  }
0x75: {  	v3 =	vadd.f32 v3, v1  }
0x76: {  	v1 =	vld [tilespmem:s18+$0x80]  }
0x77: {  	s18 =	sadd.s32 $0x200, s18;
	v2 =	vadd.f32 v2, v3  }
0x78: {  	_ = 	snop  }
0x79: {  	v0 =	vadd.f32 v0, v2;
	_ =	sdelay $0x1  }
0x7a: {  	v0 =	vadd.f32 v1, v0;
	_ =	sdelay $0x1  }
0x7b: {  	v0 =	vmul.f32 $4.999999890e-03, v0;
	_ =	sdelay $0x1  }
0x7c: {  	s18 =	simm.s32 $0x6550;
	[tilespmem:$0xC840] =	vst v0  }
0x7d: {  	v0 =	vld [tilespmem:s18+$0xFFFFFF00];
	_ =	sdelay $0x2  }
0x7e: {  	v2 =	vld [tilespmem:s18+$0xFFFFFF80]  }
0x7f: {  	v1 =	vimm.f32 $0.0e+00  }
0x80: {  	v3 =	vadd.f32 v0, v1;
	v0 =	vld [tilespmem:s18+$0x0];
	_ =	sdelay $0x1  }
0x81: {  	v1 =	vld [tilespmem:s18+$0x80]  }
0x82: {  	s17 =	simm.s32 $0x0;
	s18 =	simm.s32 $0x6750;
	v2 =	vadd.f32 v2, v3  }
.LBB2_12:
0x83: {  	v3 =	vld [tilespmem:s18+$0xFFFFFF00];
	s17 =	sadd.s32 $0x4, s17  }
0x84: {  	p0 =	slt.u32 s17, $0xC4;
	v0 =	vadd.f32 v0, v2  }
0x85: {  	v2 =	vld [tilespmem:s18+$0xFFFFFF80]  }
.Ltmp5:
0x86: {  	v1 =	vadd.f32 v1, v0;
	(pc) =	sbr.rel @p0 .LBB2_12-.Ltmp5, $4  }
0x87: {  	v0 =	vld [tilespmem:s18+$0x0]  }
0x88: {  	v3 =	vadd.f32 v3, v1  }
0x89: {  	v1 =	vld [tilespmem:s18+$0x80]  }
0x8a: {  	s18 =	sadd.s32 $0x200, s18;
	v2 =	vadd.f32 v2, v3  }
0x8b: {  	_ = 	snop  }
0x8c: {  	v0 =	vadd.f32 v0, v2;
	_ =	sdelay $0x1  }
0x8d: {  	v0 =	vadd.f32 v1, v0;
	_ =	sdelay $0x1  }
0x8e: {  	v0 =	vmul.f32 $4.999999890e-03, v0;
	_ =	sdelay $0x1  }
0x8f: {  	s18 =	simm.s32 $0x6560;
	[tilespmem:$0xC850] =	vst v0  }
0x90: {  	v0 =	vld [tilespmem:s18+$0xFFFFFF00];
	_ =	sdelay $0x2  }
0x91: {  	v2 =	vld [tilespmem:s18+$0xFFFFFF80]  }
0x92: {  	v1 =	vimm.f32 $0.0e+00  }
0x93: {  	v3 =	vadd.f32 v0, v1;
	v0 =	vld [tilespmem:s18+$0x0];
	_ =	sdelay $0x1  }
0x94: {  	v1 =	vld [tilespmem:s18+$0x80]  }
0x95: {  	s17 =	simm.s32 $0x0;
	s18 =	simm.s32 $0x6760;
	v2 =	vadd.f32 v2, v3  }
.LBB2_14:
0x96: {  	v3 =	vld [tilespmem:s18+$0xFFFFFF00];
	s17 =	sadd.s32 $0x4, s17  }
0x97: {  	p0 =	slt.u32 s17, $0xC4;
	v0 =	vadd.f32 v0, v2  }
0x98: {  	v2 =	vld [tilespmem:s18+$0xFFFFFF80]  }
.Ltmp6:
0x99: {  	v1 =	vadd.f32 v1, v0;
	(pc) =	sbr.rel @p0 .LBB2_14-.Ltmp6, $4  }
0x9a: {  	v0 =	vld [tilespmem:s18+$0x0]  }
0x9b: {  	v3 =	vadd.f32 v3, v1  }
0x9c: {  	v1 =	vld [tilespmem:s18+$0x80]  }
0x9d: {  	s18 =	sadd.s32 $0x200, s18;
	v2 =	vadd.f32 v2, v3  }
0x9e: {  	_ = 	snop  }
0x9f: {  	v0 =	vadd.f32 v0, v2;
	_ =	sdelay $0x1  }
0xa0: {  	v0 =	vadd.f32 v1, v0;
	_ =	sdelay $0x1  }
0xa1: {  	v0 =	vmul.f32 $4.999999890e-03, v0;
	_ =	sdelay $0x1  }
0xa2: {  	s18 =	simm.s32 $0x6570;
	[tilespmem:$0xC860] =	vst v0  }
0xa3: {  	v0 =	vld [tilespmem:s18+$0xFFFFFF00];
	_ =	sdelay $0x2  }
0xa4: {  	v2 =	vld [tilespmem:s18+$0xFFFFFF80]  }
0xa5: {  	v1 =	vimm.f32 $0.0e+00  }
0xa6: {  	v3 =	vadd.f32 v0, v1;
	v0 =	vld [tilespmem:s18+$0x0];
	_ =	sdelay $0x1  }
0xa7: {  	v1 =	vld [tilespmem:s18+$0x80]  }
0xa8: {  	s17 =	simm.s32 $0x0;
	s18 =	simm.s32 $0x6770;
	v2 =	vadd.f32 v2, v3  }
.LBB2_16:
0xa9: {  	v3 =	vld [tilespmem:s18+$0xFFFFFF00];
	s17 =	sadd.s32 $0x4, s17  }
0xaa: {  	p0 =	slt.u32 s17, $0xC4;
	v0 =	vadd.f32 v0, v2  }
0xab: {  	v2 =	vld [tilespmem:s18+$0xFFFFFF80]  }
.Ltmp7:
0xac: {  	v1 =	vadd.f32 v1, v0;
	(pc) =	sbr.rel @p0 .LBB2_16-.Ltmp7, $4  }
0xad: {  	v0 =	vld [tilespmem:s18+$0x0]  }
0xae: {  	v3 =	vadd.f32 v3, v1  }
0xaf: {  	v1 =	vld [tilespmem:s18+$0x80]  }
0xb0: {  	s18 =	sadd.s32 $0x200, s18;
	v2 =	vadd.f32 v2, v3  }
0xb1: {  	_ = 	snop  }
0xb2: {  	v0 =	vadd.f32 v0, v2;
	_ =	sdelay $0x1  }
0xb3: {  	v0 =	vadd.f32 v1, v0;
	_ =	sdelay $0x1  }
0xb4: {  	s16 =	sadd.s32 $0x1, s16;
	v0 =	vmul.f32 $4.999999890e-03, v0  }
0xb5: {  	p0 =	sne.s32 s16, s8  }
.Ltmp8:
0xb6: {  	[tilespmem:$0xC870] =	vst v0;
	(pc) =	sbr.rel @p0 .LBB2_1-.Ltmp8, $4  }
0xb7: {  	[hbm4b:s7+s3] =	stream.linear.scatter [tilespmem:s15], [sflag:$0x2], $0x80, $0x38;
	[tilespmem:$0x1C080] =	vst v63  }
0xb8: {  	_ =	swait.ge [sflag:s10], $0x80  }
0xb9: {  	[sflag:s10] =	ssyncset.done $0x0  }
0xba: {  	[sflag:s10] =	ssyncadd.s32 $0xFFFFFF80  }
0xbb: {  	_ =	sfence.sel $0x180000  }
0xbc: {  	[bflag:$0x0] =	sbarrier.arrive $0xFFFF  }
0xbd: {  	p0 =	sne.s32 s1, $0x0;
	_ =	strace $0x90000047  }
0xbe: {  	s0 =	sadd.s32 @!p0 $0x100000, s0;
	[bflag:$0x2] =	sbarrier.arrive $0xFFFF  }
0xbf: {  	[sflag:s0] =	ssyncadd.tile.s32 @!p0 $0x1;
	_ =	shalt  }
.Lfunc_end2:
_tile_overlayer_lowered:
.L_overlay_start_2:
0xc0: {  	(tag) =	ssettag $0x2  }
0xc1: {  	s0 =	rddreg [dreg:$0x0];
	s2 =	stileid.u32  }
0xc2: {  	s1 =	rddreg [dreg:$0x1];
	p0 =	sne.s32 s2, $0x0  }
0xc3: {  	s3 =	rddreg [dreg:$0x2];
	[bflag:$0x3] =	sbarrier.arrive $0xFFFF;
	s2 =	simm.s32 @!p0 $0x1C02  }
0xc4: {  	[timem:s3], [sflag:s2] =	dma.local @!p0 [hbm:s0], s1  }
0xc5: {  	s0 =	simm.s32 @!p0 $0x2  }
0xc6: {  	_ =	swait.ge @!p0 [sflag:s0], s1  }
0xc7: {  	s1 =	ssub.s32 @!p0 $0x0, s1;
	[sflag:s0] =	ssyncset.done @!p0 $0x0  }
0xc8: {  	[sflag:s0] =	ssyncadd.s32 @!p0 s1  }
0xc9: {  	[bflag:$0x3] =	sbarrier.arrive $0xFFFF  }
0xca: {  	_ =	shalt  }

</sc_bundles>
